<compile_context>
chip_gen: v7x
topology: tpu7x:2x2x1
jax: 0.10.2.dev20260603
libtpu: 0.0.44.dev20260713+nightly
codegen_flags: <defaults>
</compile_context>

<pallas_src>
import functools

import jax
import jax.numpy as jnp
from jax import lax
from jax.experimental import pallas as pl
from jax.experimental.pallas import tpu as pltpu
from jax.experimental.pallas import tpu_sc as plsc

_EPS = 1e-12
_N_SPLITS = 8
_N_SKILLS = 16
_B = 16384
_D = _N_SPLITS * _N_SKILLS
_NW = 32
_B_PER_W = _B // _NW

_mesh = plsc.VectorSubcoreMesh(core_axis_name="c", subcore_axis_name="s")


@functools.partial(
    pl.kernel,
    out_type=jax.ShapeDtypeStruct((_B, _D), jnp.float32),
    mesh=_mesh,
    scratch_types=[
        pltpu.VMEM((_B_PER_W,), jnp.int32),
        pltpu.VMEM((_B_PER_W, _D), jnp.float32),
        pltpu.SemaphoreType.DMA,
    ],
    compiler_params=pltpu.CompilerParams(needs_layout_passes=False),
)
def _poly_select(ids_hbm, table_hbm, out_hbm, idx_v, rows_v, sem):
    wid = lax.axis_index("s") * 2 + lax.axis_index("c")
    base = wid * _B_PER_W
    pltpu.sync_copy(ids_hbm.at[pl.ds(base, _B_PER_W)], idx_v)
    pltpu.async_copy(table_hbm.at[idx_v], rows_v, sem).wait()

    @plsc.parallel_loop(0, _B_PER_W, 1, unroll=2)
    def _row(r):
        for s in range(_N_SPLITS):
            x = rows_v[r, pl.ds(s * _N_SKILLS, _N_SKILLS)]
            sig = 1.0 / (1.0 + jnp.exp(-x))
            tot = jnp.broadcast_to(jnp.sum(sig) + _EPS, (_N_SKILLS,))
            rows_v[r, pl.ds(s * _N_SKILLS, _N_SKILLS)] = sig / tot

    pltpu.sync_copy(rows_v, out_hbm.at[pl.ds(base, _B_PER_W)])


def kernel(task_ids, module_logits):
    out = _poly_select(task_ids.astype(jnp.int32), module_logits)
    return out.reshape(_B, _N_SPLITS, _N_SKILLS)

# --- scband reference (transcript-rebuilt; emitter-appended) ---
"""Pipeline reference for scband-polytropon-selector-89146341195904 (READ-ONLY COPY).

The authoritative reference and input builder live on the scoring server;
editing this copy changes nothing except your own understanding.
"""

import jax, jax.numpy as jnp
import numpy as np

EPS = 1e-12
N_TASKS = 100000
N_SPLITS = 8
N_SKILLS = 16
BATCH = 16384


def setup_inputs(seed: int = 0) -> dict:
    key = jax.random.key(seed)
    k1, k2 = jax.random.split(key)
    task_ids = jax.random.randint(k1, (BATCH,), 0, N_TASKS, dtype=jnp.int64 if jax.config.jax_enable_x64 else jnp.int32)
    module_logits = jax.random.uniform(k2, (N_TASKS, N_SPLITS * N_SKILLS), dtype=jnp.float32, minval=-0.001, maxval=0.001)
    return {"task_ids": task_ids, "module_logits": module_logits}


def reference(task_ids, module_logits):
    # Faithful translation of PolytroponSelector.forward (eval mode,
    # l2_norm=False, relaxed_bernoulli=False, straight_through=False,
    # dropout=0.0, poly_use_shared_skill=False, poly_average_correction=False,
    # input_conditional_routing=False)
    ml = jnp.take(module_logits, task_ids, axis=0)            # gather: [B, n_splits*n_skills]
    ml = ml.reshape(-1, N_SPLITS, N_SKILLS)                    # [B, n_splits, n_skills]
    ml = jax.nn.sigmoid(ml)
    module_weights = ml / (ml.sum(axis=-1, keepdims=True) + EPS)
    return module_weights

if __name__ == "__main__":
    import jax
    _d = setup_inputs()
    print(jax.jit(kernel)(*tuple(_d.values())))

</pallas_src>

<mosaic_0001>
#map = affine_map<(d0, d1) -> (0)>
#map1 = affine_map<(d0, d1) -> (0, 0)>
module attributes {stable_mosaic.version = 14 : i64} {
  func.func @_poly_select(%arg0: i32, %arg1: i32, %arg2: memref<16384xi32, #tpu.memory_space<hbm>>, %arg3: memref<100000x128xf32, #tpu.memory_space<hbm>>, %arg4: memref<16384x128xf32, #tpu.memory_space<hbm>>, %arg5: memref<512xi32, #tpu.memory_space<vmem>>, %arg6: memref<512x128xf32, #tpu.memory_space<vmem>>, %arg7: memref<!tpu.dma_semaphore, #tpu.memory_space<semaphore_mem>>) attributes {dimension_semantics = [#tpu.dimension_semantics<core_parallel>, #tpu.dimension_semantics<subcore_parallel>], iteration_bounds = array<i64: 2, 16>, scalar_prefetch = 0 : i64, scratch_operands = 3 : i64, tpu.core_type = #tpu.core_type<sc_vector_subcore>, window_params = [{transform_indices = #map}, {transform_indices = #map1}, {transform_indices = #map1}]} {
    %mul3A = arith.constant 2 : i32
    %mul3A_0 = arith.muli %arg1, %mul3A : i32
    %add3A = arith.addi %mul3A_0, %arg0 : i32
    %mul3A_1 = arith.constant 512 : i32
    %mul3A_2 = arith.muli %add3A, %mul3A_1 : i32
    "tpu.region"() ({
      %run_scoped3A = tpu.sem_alloc : memref<!tpu.dma_semaphore, #tpu.memory_space<semaphore_mem>>
      %dma_start3A_9 = tpu.memref_slice %arg2[%mul3A_2] : memref<16384xi32, #tpu.memory_space<hbm>> -> memref<512xi32, #tpu.memory_space<hbm>>
      %dma_start3A_10 = tpu.memref_slice %arg2[%mul3A_2] : memref<16384xi32, #tpu.memory_space<hbm>> -> memref<512xi32, #tpu.memory_space<hbm>>
      tpu.enqueue_dma source(%dma_start3A_10 : memref<512xi32, #tpu.memory_space<hbm>>) target(%arg5 : memref<512xi32, #tpu.memory_space<vmem>>) target_semaphore(%run_scoped3A : memref<!tpu.dma_semaphore, #tpu.memory_space<semaphore_mem>>)
      %dma_wait3A_11 = tpu.memref_slice %arg2[%mul3A_2] : memref<16384xi32, #tpu.memory_space<hbm>> -> memref<512xi32, #tpu.memory_space<hbm>>
      %dma_wait3A_12 = tpu.memref_slice %arg2[%mul3A_2] : memref<16384xi32, #tpu.memory_space<hbm>> -> memref<512xi32, #tpu.memory_space<hbm>>
      tpu.wait_dma2 semaphore(%run_scoped3A : memref<!tpu.dma_semaphore, #tpu.memory_space<semaphore_mem>>) src(%dma_wait3A_12 : memref<512xi32, #tpu.memory_space<hbm>>) dst(%arg5 : memref<512xi32, #tpu.memory_space<vmem>>)
      tpu.yield
    }) : () -> ()
    %dma_start3A = arith.constant 0 : i32
    %dma_start3A_3 = arith.constant 0 : i32
    %dma_start3A_4 = tpu.memref_slice %arg3[%dma_start3A, %dma_start3A_3] : memref<100000x128xf32, #tpu.memory_space<hbm>> -> memref<100000x128xf32, #tpu.memory_space<hbm>>
    tpu.enqueue_indirect_dma source(%dma_start3A_4 : memref<100000x128xf32, #tpu.memory_space<hbm>>) target(%arg6 : memref<512x128xf32, #tpu.memory_space<vmem>>) offsets(%arg5 : memref<512xi32, #tpu.memory_space<vmem>>) semaphore(%arg7 : memref<!tpu.dma_semaphore, #tpu.memory_space<semaphore_mem>>)
    %dma_wait3A = arith.constant 0 : i32
    %dma_wait3A_5 = arith.constant 0 : i32
    %dma_wait3A_6 = tpu.memref_slice %arg3[%dma_wait3A, %dma_wait3A_5] : memref<100000x128xf32, #tpu.memory_space<hbm>> -> memref<100000x128xf32, #tpu.memory_space<hbm>>
    tpu.wait_indirect_dma semaphore(%arg7 : memref<!tpu.dma_semaphore, #tpu.memory_space<semaphore_mem>>) src(%dma_wait3A_6 : memref<100000x128xf32, #tpu.memory_space<hbm>>) dst(%arg6 : memref<512x128xf32, #tpu.memory_space<vmem>>)
    %parallel_loop3A = arith.constant 0 : i32
    %parallel_loop3A_7 = arith.constant 512 : i32
    %parallel_loop3A_8 = arith.constant 1 : i32
    scf.for %parallel_loop3A_9 = %parallel_loop3A to %parallel_loop3A_7 step %parallel_loop3A_8  : i32 {
      %parallel_loop3A_10 = arith.index_cast %parallel_loop3A_9 : i32 to index
      %parallel_loop3A_11 = arith.constant 0 : index
      %parallel_loop3A_12 = tpu.vector_load %arg6[%parallel_loop3A_10, %parallel_loop3A_11] {strides = array<i32>} : memref<512x128xf32, #tpu.memory_space<vmem>>, vector<16xf32>,
      %parallel_loop3A_13 = arith.constant 0.000000e+00 : f32
      %parallel_loop3A_14 = vector.broadcast %parallel_loop3A_13 : f32 to vector<16xf32>
      %parallel_loop3A_15 = arith.subf %parallel_loop3A_14, %parallel_loop3A_12 : vector<16xf32>
      %parallel_loop3A_16 = math.exp %parallel_loop3A_15 : vector<16xf32>
      %parallel_loop3A_17 = arith.constant 1.000000e+00 : f32
      %parallel_loop3A_18 = vector.broadcast %parallel_loop3A_17 : f32 to vector<16xf32>
      %parallel_loop3A_19 = arith.addf %parallel_loop3A_18, %parallel_loop3A_16 : vector<16xf32>
      %parallel_loop3A_20 = arith.constant 1.000000e+00 : f32
      %parallel_loop3A_21 = vector.broadcast %parallel_loop3A_20 : f32 to vector<16xf32>
      %parallel_loop3A_22 = arith.divf %parallel_loop3A_21, %parallel_loop3A_19 : vector<16xf32>
      %parallel_loop3A_23 = arith.constant true
      %parallel_loop3A_24 = vector.broadcast %parallel_loop3A_23 : i1 to vector<16xi1>
      %parallel_loop3A_25 = tpu.scan <sum>, %parallel_loop3A_22 masked %parallel_loop3A_24 : vector<16xf32>, vector<16xi1> -> vector<16xf32>
      %parallel_loop3A_26 = vector.extract %parallel_loop3A_25[15] : f32 from vector<16xf32>
      %parallel_loop3A_27 = arith.constant 9.99999996E-13 : f32
      %parallel_loop3A_28 = arith.addf %parallel_loop3A_26, %parallel_loop3A_27 : f32
      %parallel_loop3A_29 = vector.broadcast %parallel_loop3A_28 : f32 to vector<16xf32>
      %parallel_loop3A_30 = arith.divf %parallel_loop3A_22, %parallel_loop3A_29 : vector<16xf32>
      %parallel_loop3A_31 = arith.index_cast %parallel_loop3A_9 : i32 to index
      %parallel_loop3A_32 = arith.constant 0 : index
      %parallel_loop3A_33 = tpu.vector_load %arg6[%parallel_loop3A_31, %parallel_loop3A_32] {strides = array<i32>} : memref<512x128xf32, #tpu.memory_space<vmem>>, vector<16xf32>,
      tpu.vector_store %arg6[%parallel_loop3A_31, %parallel_loop3A_32], %parallel_loop3A_30 {strides = array<i32>} : memref<512x128xf32, #tpu.memory_space<vmem>>, vector<16xf32>,
      %parallel_loop3A_34 = arith.index_cast %parallel_loop3A_9 : i32 to index
      %parallel_loop3A_35 = arith.constant 16 : index
      %parallel_loop3A_36 = tpu.vector_load %arg6[%parallel_loop3A_34, %parallel_loop3A_35] {strides = array<i32>} : memref<512x128xf32, #tpu.memory_space<vmem>>, vector<16xf32>,
      %parallel_loop3A_37 = arith.constant 0.000000e+00 : f32
      %parallel_loop3A_38 = vector.broadcast %parallel_loop3A_37 : f32 to vector<16xf32>
      %parallel_loop3A_39 = arith.subf %parallel_loop3A_38, %parallel_loop3A_36 : vector<16xf32>
      %parallel_loop3A_40 = math.exp %parallel_loop3A_39 : vector<16xf32>
      %parallel_loop3A_41 = arith.constant 1.000000e+00 : f32
      %parallel_loop3A_42 = vector.broadcast %parallel_loop3A_41 : f32 to vector<16xf32>
      %parallel_loop3A_43 = arith.addf %parallel_loop3A_42, %parallel_loop3A_40 : vector<16xf32>
      %parallel_loop3A_44 = arith.constant 1.000000e+00 : f32
      %parallel_loop3A_45 = vector.broadcast %parallel_loop3A_44 : f32 to vector<16xf32>
      %parallel_loop3A_46 = arith.divf %parallel_loop3A_45, %parallel_loop3A_43 : vector<16xf32>
      %parallel_loop3A_47 = arith.constant true
      %parallel_loop3A_48 = vector.broadcast %parallel_loop3A_47 : i1 to vector<16xi1>
      %parallel_loop3A_49 = tpu.scan <sum>, %parallel_loop3A_46 masked %parallel_loop3A_48 : vector<16xf32>, vector<16xi1> -> vector<16xf32>
      %parallel_loop3A_50 = vector.extract %parallel_loop3A_49[15] : f32 from vector<16xf32>
      %parallel_loop3A_51 = arith.constant 9.99999996E-13 : f32
      %parallel_loop3A_52 = arith.addf %parallel_loop3A_50, %parallel_loop3A_51 : f32
      %parallel_loop3A_53 = vector.broadcast %parallel_loop3A_52 : f32 to vector<16xf32>
      %parallel_loop3A_54 = arith.divf %parallel_loop3A_46, %parallel_loop3A_53 : vector<16xf32>
      %parallel_loop3A_55 = arith.index_cast %parallel_loop3A_9 : i32 to index
      %parallel_loop3A_56 = arith.constant 16 : index
      %parallel_loop3A_57 = tpu.vector_load %arg6[%parallel_loop3A_55, %parallel_loop3A_56] {strides = array<i32>} : memref<512x128xf32, #tpu.memory_space<vmem>>, vector<16xf32>,
      tpu.vector_store %arg6[%parallel_loop3A_55, %parallel_loop3A_56], %parallel_loop3A_54 {strides = array<i32>} : memref<512x128xf32, #tpu.memory_space<vmem>>, vector<16xf32>,
      %parallel_loop3A_58 = arith.index_cast %parallel_loop3A_9 : i32 to index
      %parallel_loop3A_59 = arith.constant 32 : index
      %parallel_loop3A_60 = tpu.vector_load %arg6[%parallel_loop3A_58, %parallel_loop3A_59] {strides = array<i32>} : memref<512x128xf32, #tpu.memory_space<vmem>>, vector<16xf32>,
      %parallel_loop3A_61 = arith.constant 0.000000e+00 : f32
      %parallel_loop3A_62 = vector.broadcast %parallel_loop3A_61 : f32 to vector<16xf32>
      %parallel_loop3A_63 = arith.subf %parallel_loop3A_62, %parallel_loop3A_60 : vector<16xf32>
      %parallel_loop3A_64 = math.exp %parallel_loop3A_63 : vector<16xf32>
      %parallel_loop3A_65 = arith.constant 1.000000e+00 : f32
      %parallel_loop3A_66 = vector.broadcast %parallel_loop3A_65 : f32 to vector<16xf32>
      %parallel_loop3A_67 = arith.addf %parallel_loop3A_66, %parallel_loop3A_64 : vector<16xf32>
      %parallel_loop3A_68 = arith.constant 1.000000e+00 : f32
      %parallel_loop3A_69 = vector.broadcast %parallel_loop3A_68 : f32 to vector<16xf32>
      %parallel_loop3A_70 = arith.divf %parallel_loop3A_69, %parallel_loop3A_67 : vector<16xf32>
      %parallel_loop3A_71 = arith.constant true
      %parallel_loop3A_72 = vector.broadcast %parallel_loop3A_71 : i1 to vector<16xi1>
      %parallel_loop3A_73 = tpu.scan <sum>, %parallel_loop3A_70 masked %parallel_loop3A_72 : vector<16xf32>, vector<16xi1> -> vector<16xf32>
      %parallel_loop3A_74 = vector.extract %parallel_loop3A_73[15] : f32 from vector<16xf32>
      %parallel_loop3A_75 = arith.constant 9.99999996E-13 : f32
      %parallel_loop3A_76 = arith.addf %parallel_loop3A_74, %parallel_loop3A_75 : f32
      %parallel_loop3A_77 = vector.broadcast %parallel_loop3A_76 : f32 to vector<16xf32>
      %parallel_loop3A_78 = arith.divf %parallel_loop3A_70, %parallel_loop3A_77 : vector<16xf32>
      %parallel_loop3A_79 = arith.index_cast %parallel_loop3A_9 : i32 to index
      %parallel_loop3A_80 = arith.constant 32 : index
      %parallel_loop3A_81 = tpu.vector_load %arg6[%parallel_loop3A_79, %parallel_loop3A_80] {strides = array<i32>} : memref<512x128xf32, #tpu.memory_space<vmem>>, vector<16xf32>,
      tpu.vector_store %arg6[%parallel_loop3A_79, %parallel_loop3A_80], %parallel_loop3A_78 {strides = array<i32>} : memref<512x128xf32, #tpu.memory_space<vmem>>, vector<16xf32>,
      %parallel_loop3A_82 = arith.index_cast %parallel_loop3A_9 : i32 to index
      %parallel_loop3A_83 = arith.constant 48 : index
      %parallel_loop3A_84 = tpu.vector_load %arg6[%parallel_loop3A_82, %parallel_loop3A_83] {strides = array<i32>} : memref<512x128xf32, #tpu.memory_space<vmem>>, vector<16xf32>,
      %parallel_loop3A_85 = arith.constant 0.000000e+00 : f32
      %parallel_loop3A_86 = vector.broadcast %parallel_loop3A_85 : f32 to vector<16xf32>
      %parallel_loop3A_87 = arith.subf %parallel_loop3A_86, %parallel_loop3A_84 : vector<16xf32>
      %parallel_loop3A_88 = math.exp %parallel_loop3A_87 : vector<16xf32>
      %parallel_loop3A_89 = arith.constant 1.000000e+00 : f32
      %parallel_loop3A_90 = vector.broadcast %parallel_loop3A_89 : f32 to vector<16xf32>
      %parallel_loop3A_91 = arith.addf %parallel_loop3A_90, %parallel_loop3A_88 : vector<16xf32>
      %parallel_loop3A_92 = arith.constant 1.000000e+00 : f32
      %parallel_loop3A_93 = vector.broadcast %parallel_loop3A_92 : f32 to vector<16xf32>
      %parallel_loop3A_94 = arith.divf %parallel_loop3A_93, %parallel_loop3A_91 : vector<16xf32>
      %parallel_loop3A_95 = arith.constant true
      %parallel_loop3A_96 = vector.broadcast %parallel_loop3A_95 : i1 to vector<16xi1>
      %parallel_loop3A_97 = tpu.scan <sum>, %parallel_loop3A_94 masked %parallel_loop3A_96 : vector<16xf32>, vector<16xi1> -> vector<16xf32>
      %parallel_loop3A_98 = vector.extract %parallel_loop3A_97[15] : f32 from vector<16xf32>
      %parallel_loop3A_99 = arith.constant 9.99999996E-13 : f32
      %parallel_loop3A_100 = arith.addf %parallel_loop3A_98, %parallel_loop3A_99 : f32
      %parallel_loop3A_101 = vector.broadcast %parallel_loop3A_100 : f32 to vector<16xf32>
      %parallel_loop3A_102 = arith.divf %parallel_loop3A_94, %parallel_loop3A_101 : vector<16xf32>
      %parallel_loop3A_103 = arith.index_cast %parallel_loop3A_9 : i32 to index
      %parallel_loop3A_104 = arith.constant 48 : index
      %parallel_loop3A_105 = tpu.vector_load %arg6[%parallel_loop3A_103, %parallel_loop3A_104] {strides = array<i32>} : memref<512x128xf32, #tpu.memory_space<vmem>>, vector<16xf32>,
      tpu.vector_store %arg6[%parallel_loop3A_103, %parallel_loop3A_104], %parallel_loop3A_102 {strides = array<i32>} : memref<512x128xf32, #tpu.memory_space<vmem>>, vector<16xf32>,
      %parallel_loop3A_106 = arith.index_cast %parallel_loop3A_9 : i32 to index
      %parallel_loop3A_107 = arith.constant 64 : index
      %parallel_loop3A_108 = tpu.vector_load %arg6[%parallel_loop3A_106, %parallel_loop3A_107] {strides = array<i32>} : memref<512x128xf32, #tpu.memory_space<vmem>>, vector<16xf32>,
      %parallel_loop3A_109 = arith.constant 0.000000e+00 : f32
      %parallel_loop3A_110 = vector.broadcast %parallel_loop3A_109 : f32 to vector<16xf32>
      %parallel_loop3A_111 = arith.subf %parallel_loop3A_110, %parallel_loop3A_108 : vector<16xf32>
      %parallel_loop3A_112 = math.exp %parallel_loop3A_111 : vector<16xf32>
      %parallel_loop3A_113 = arith.constant 1.000000e+00 : f32
      %parallel_loop3A_114 = vector.broadcast %parallel_loop3A_113 : f32 to vector<16xf32>
      %parallel_loop3A_115 = arith.addf %parallel_loop3A_114, %parallel_loop3A_112 : vector<16xf32>
      %parallel_loop3A_116 = arith.constant 1.000000e+00 : f32
      %parallel_loop3A_117 = vector.broadcast %parallel_loop3A_116 : f32 to vector<16xf32>
      %parallel_loop3A_118 = arith.divf %parallel_loop3A_117, %parallel_loop3A_115 : vector<16xf32>
      %parallel_loop3A_119 = arith.constant true
      %parallel_loop3A_120 = vector.broadcast %parallel_loop3A_119 : i1 to vector<16xi1>
      %parallel_loop3A_121 = tpu.scan <sum>, %parallel_loop3A_118 masked %parallel_loop3A_120 : vector<16xf32>, vector<16xi1> -> vector<16xf32>
      %parallel_loop3A_122 = vector.extract %parallel_loop3A_121[15] : f32 from vector<16xf32>
      %parallel_loop3A_123 = arith.constant 9.99999996E-13 : f32
      %parallel_loop3A_124 = arith.addf %parallel_loop3A_122, %parallel_loop3A_123 : f32
      %parallel_loop3A_125 = vector.broadcast %parallel_loop3A_124 : f32 to vector<16xf32>
      %parallel_loop3A_126 = arith.divf %parallel_loop3A_118, %parallel_loop3A_125 : vector<16xf32>
      %parallel_loop3A_127 = arith.index_cast %parallel_loop3A_9 : i32 to index
      %parallel_loop3A_128 = arith.constant 64 : index
      %parallel_loop3A_129 = tpu.vector_load %arg6[%parallel_loop3A_127, %parallel_loop3A_128] {strides = array<i32>} : memref<512x128xf32, #tpu.memory_space<vmem>>, vector<16xf32>,
      tpu.vector_store %arg6[%parallel_loop3A_127, %parallel_loop3A_128], %parallel_loop3A_126 {strides = array<i32>} : memref<512x128xf32, #tpu.memory_space<vmem>>, vector<16xf32>,
      %parallel_loop3A_130 = arith.index_cast %parallel_loop3A_9 : i32 to index
      %parallel_loop3A_131 = arith.constant 80 : index
      %parallel_loop3A_132 = tpu.vector_load %arg6[%parallel_loop3A_130, %parallel_loop3A_131] {strides = array<i32>} : memref<512x128xf32, #tpu.memory_space<vmem>>, vector<16xf32>,
      %parallel_loop3A_133 = arith.constant 0.000000e+00 : f32
      %parallel_loop3A_134 = vector.broadcast %parallel_loop3A_133 : f32 to vector<16xf32>
      %parallel_loop3A_135 = arith.subf %parallel_loop3A_134, %parallel_loop3A_132 : vector<16xf32>
      %parallel_loop3A_136 = math.exp %parallel_loop3A_135 : vector<16xf32>
      %parallel_loop3A_137 = arith.constant 1.000000e+00 : f32
      %parallel_loop3A_138 = vector.broadcast %parallel_loop3A_137 : f32 to vector<16xf32>
      %parallel_loop3A_139 = arith.addf %parallel_loop3A_138, %parallel_loop3A_136 : vector<16xf32>
      %parallel_loop3A_140 = arith.constant 1.000000e+00 : f32
      %parallel_loop3A_141 = vector.broadcast %parallel_loop3A_140 : f32 to vector<16xf32>
      %parallel_loop3A_142 = arith.divf %parallel_loop3A_141, %parallel_loop3A_139 : vector<16xf32>
      %parallel_loop3A_143 = arith.constant true
      %parallel_loop3A_144 = vector.broadcast %parallel_loop3A_143 : i1 to vector<16xi1>
      %parallel_loop3A_145 = tpu.scan <sum>, %parallel_loop3A_142 masked %parallel_loop3A_144 : vector<16xf32>, vector<16xi1> -> vector<16xf32>
      %parallel_loop3A_146 = vector.extract %parallel_loop3A_145[15] : f32 from vector<16xf32>
      %parallel_loop3A_147 = arith.constant 9.99999996E-13 : f32
      %parallel_loop3A_148 = arith.addf %parallel_loop3A_146, %parallel_loop3A_147 : f32
      %parallel_loop3A_149 = vector.broadcast %parallel_loop3A_148 : f32 to vector<16xf32>
      %parallel_loop3A_150 = arith.divf %parallel_loop3A_142, %parallel_loop3A_149 : vector<16xf32>
      %parallel_loop3A_151 = arith.index_cast %parallel_loop3A_9 : i32 to index
      %parallel_loop3A_152 = arith.constant 80 : index
      %parallel_loop3A_153 = tpu.vector_load %arg6[%parallel_loop3A_151, %parallel_loop3A_152] {strides = array<i32>} : memref<512x128xf32, #tpu.memory_space<vmem>>, vector<16xf32>,
      tpu.vector_store %arg6[%parallel_loop3A_151, %parallel_loop3A_152], %parallel_loop3A_150 {strides = array<i32>} : memref<512x128xf32, #tpu.memory_space<vmem>>, vector<16xf32>,
      %parallel_loop3A_154 = arith.index_cast %parallel_loop3A_9 : i32 to index
      %parallel_loop3A_155 = arith.constant 96 : index
      %parallel_loop3A_156 = tpu.vector_load %arg6[%parallel_loop3A_154, %parallel_loop3A_155] {strides = array<i32>} : memref<512x128xf32, #tpu.memory_space<vmem>>, vector<16xf32>,
      %parallel_loop3A_157 = arith.constant 0.000000e+00 : f32
      %parallel_loop3A_158 = vector.broadcast %parallel_loop3A_157 : f32 to vector<16xf32>
      %parallel_loop3A_159 = arith.subf %parallel_loop3A_158, %parallel_loop3A_156 : vector<16xf32>
      %parallel_loop3A_160 = math.exp %parallel_loop3A_159 : vector<16xf32>
      %parallel_loop3A_161 = arith.constant 1.000000e+00 : f32
      %parallel_loop3A_162 = vector.broadcast %parallel_loop3A_161 : f32 to vector<16xf32>
      %parallel_loop3A_163 = arith.addf %parallel_loop3A_162, %parallel_loop3A_160 : vector<16xf32>
      %parallel_loop3A_164 = arith.constant 1.000000e+00 : f32
      %parallel_loop3A_165 = vector.broadcast %parallel_loop3A_164 : f32 to vector<16xf32>
      %parallel_loop3A_166 = arith.divf %parallel_loop3A_165, %parallel_loop3A_163 : vector<16xf32>
      %parallel_loop3A_167 = arith.constant true
      %parallel_loop3A_168 = vector.broadcast %parallel_loop3A_167 : i1 to vector<16xi1>
      %parallel_loop3A_169 = tpu.scan <sum>, %parallel_loop3A_166 masked %parallel_loop3A_168 : vector<16xf32>, vector<16xi1> -> vector<16xf32>
      %parallel_loop3A_170 = vector.extract %parallel_loop3A_169[15] : f32 from vector<16xf32>
      %parallel_loop3A_171 = arith.constant 9.99999996E-13 : f32
      %parallel_loop3A_172 = arith.addf %parallel_loop3A_170, %parallel_loop3A_171 : f32
      %parallel_loop3A_173 = vector.broadcast %parallel_loop3A_172 : f32 to vector<16xf32>
      %parallel_loop3A_174 = arith.divf %parallel_loop3A_166, %parallel_loop3A_173 : vector<16xf32>
      %parallel_loop3A_175 = arith.index_cast %parallel_loop3A_9 : i32 to index
      %parallel_loop3A_176 = arith.constant 96 : index
      %parallel_loop3A_177 = tpu.vector_load %arg6[%parallel_loop3A_175, %parallel_loop3A_176] {strides = array<i32>} : memref<512x128xf32, #tpu.memory_space<vmem>>, vector<16xf32>,
      tpu.vector_store %arg6[%parallel_loop3A_175, %parallel_loop3A_176], %parallel_loop3A_174 {strides = array<i32>} : memref<512x128xf32, #tpu.memory_space<vmem>>, vector<16xf32>,
      %parallel_loop3A_178 = arith.index_cast %parallel_loop3A_9 : i32 to index
      %parallel_loop3A_179 = arith.constant 112 : index
      %parallel_loop3A_180 = tpu.vector_load %arg6[%parallel_loop3A_178, %parallel_loop3A_179] {strides = array<i32>} : memref<512x128xf32, #tpu.memory_space<vmem>>, vector<16xf32>,
      %parallel_loop3A_181 = arith.constant 0.000000e+00 : f32
      %parallel_loop3A_182 = vector.broadcast %parallel_loop3A_181 : f32 to vector<16xf32>
      %parallel_loop3A_183 = arith.subf %parallel_loop3A_182, %parallel_loop3A_180 : vector<16xf32>
      %parallel_loop3A_184 = math.exp %parallel_loop3A_183 : vector<16xf32>
      %parallel_loop3A_185 = arith.constant 1.000000e+00 : f32
      %parallel_loop3A_186 = vector.broadcast %parallel_loop3A_185 : f32 to vector<16xf32>
      %parallel_loop3A_187 = arith.addf %parallel_loop3A_186, %parallel_loop3A_184 : vector<16xf32>
      %parallel_loop3A_188 = arith.constant 1.000000e+00 : f32
      %parallel_loop3A_189 = vector.broadcast %parallel_loop3A_188 : f32 to vector<16xf32>
      %parallel_loop3A_190 = arith.divf %parallel_loop3A_189, %parallel_loop3A_187 : vector<16xf32>
      %parallel_loop3A_191 = arith.constant true
      %parallel_loop3A_192 = vector.broadcast %parallel_loop3A_191 : i1 to vector<16xi1>
      %parallel_loop3A_193 = tpu.scan <sum>, %parallel_loop3A_190 masked %parallel_loop3A_192 : vector<16xf32>, vector<16xi1> -> vector<16xf32>
      %parallel_loop3A_194 = vector.extract %parallel_loop3A_193[15] : f32 from vector<16xf32>
      %parallel_loop3A_195 = arith.constant 9.99999996E-13 : f32
      %parallel_loop3A_196 = arith.addf %parallel_loop3A_194, %parallel_loop3A_195 : f32
      %parallel_loop3A_197 = vector.broadcast %parallel_loop3A_196 : f32 to vector<16xf32>
      %parallel_loop3A_198 = arith.divf %parallel_loop3A_190, %parallel_loop3A_197 : vector<16xf32>
      %parallel_loop3A_199 = arith.index_cast %parallel_loop3A_9 : i32 to index
      %parallel_loop3A_200 = arith.constant 112 : index
      %parallel_loop3A_201 = tpu.vector_load %arg6[%parallel_loop3A_199, %parallel_loop3A_200] {strides = array<i32>} : memref<512x128xf32, #tpu.memory_space<vmem>>, vector<16xf32>,
      tpu.vector_store %arg6[%parallel_loop3A_199, %parallel_loop3A_200], %parallel_loop3A_198 {strides = array<i32>} : memref<512x128xf32, #tpu.memory_space<vmem>>, vector<16xf32>,
    } {sc.loop_unroll_factor = 2 : i64, sc.parallel_access}
    "tpu.region"() ({
      %run_scoped3A = tpu.sem_alloc : memref<!tpu.dma_semaphore, #tpu.memory_space<semaphore_mem>>
      %dma_start3A_9 = arith.constant 0 : i32
      %dma_start3A_10 = tpu.memref_slice %arg4[%mul3A_2, %dma_start3A_9] : memref<16384x128xf32, #tpu.memory_space<hbm>> -> memref<512x128xf32, #tpu.memory_space<hbm>>
      %dma_start3A_11 = arith.constant 0 : i32
      %dma_start3A_12 = tpu.memref_slice %arg4[%mul3A_2, %dma_start3A_11] : memref<16384x128xf32, #tpu.memory_space<hbm>> -> memref<512x128xf32, #tpu.memory_space<hbm>>
      tpu.enqueue_dma source(%arg6 : memref<512x128xf32, #tpu.memory_space<vmem>>) target(%dma_start3A_12 : memref<512x128xf32, #tpu.memory_space<hbm>>) target_semaphore(%run_scoped3A : memref<!tpu.dma_semaphore, #tpu.memory_space<semaphore_mem>>)
      %dma_wait3A_13 = arith.constant 0 : i32
      %dma_wait3A_14 = tpu.memref_slice %arg4[%mul3A_2, %dma_wait3A_13] : memref<16384x128xf32, #tpu.memory_space<hbm>> -> memref<512x128xf32, #tpu.memory_space<hbm>>
      %dma_wait3A_15 = arith.constant 0 : i32
      %dma_wait3A_16 = tpu.memref_slice %arg4[%mul3A_2, %dma_wait3A_15] : memref<16384x128xf32, #tpu.memory_space<hbm>> -> memref<512x128xf32, #tpu.memory_space<hbm>>
      tpu.wait_dma2 semaphore(%run_scoped3A : memref<!tpu.dma_semaphore, #tpu.memory_space<semaphore_mem>>) src(%arg6 : memref<512x128xf32, #tpu.memory_space<vmem>>) dst(%dma_wait3A_16 : memref<512x128xf32, #tpu.memory_space<hbm>>)
      tpu.yield
    }) : () -> ()
    return
  }
}

</mosaic_0001>

<sc_bundles>
// kernel: kernel.3.cloned.1.call-start
scs
__scs_entry_jumppad:
0x0: {  	(pc) =	sbr.rel $0x88, $3  }
0x1: {  	(tag) =	ssettag $0x0;
	lr =	simm.s32 $0x1  }
0x2: {  	[smem:$0x3F9F] =	sst lr;
	_ =	strace $0xD0000000  }
0x3: {  	_ = 	snop  }
0x4: {  	_ = 	snop  }
0x5: {  	_ = 	snop  }
0x6: {  	_ = 	snop  }
0x7: {  	_ = 	snop  }
__scs_overlays_trampoline_lowered:
0x8: {  	[smem:$0x3FAE] =	sst s0  }
0x9: {  	[smem:$0x3FAF] =	sst s1  }
0xa: {  	[smem:$0x3FB0] =	sst s2  }
0xb: {  	[smem:$0x3FB1] =	sst s3  }
0xc: {  	[smem:$0x3FB2] =	sst s4  }
0xd: {  	[smem:$0x3FB3] =	sst s5  }
0xe: {  	[smem:$0x3FB4] =	sst s6  }
0xf: {  	[smem:$0x3FB5] =	sst s7  }
0x10: {  	[smem:$0x3FB6] =	sst s8  }
0x11: {  	[smem:$0x3FB7] =	sst s9;
	s0 =	simm.s32 @!p0 $0x0  }
0x12: {  	s1 =	sld [smem:$0x3F9D];
	s0 =	simm.s32 @p0 $0x1  }
0x13: {  	[smem:$0x3FB8] =	sst s0;
	s0 =	simm.s32 @!p1 $0x0  }
0x14: {  	s2 =	sld [smem:$0x3F9C];
	s0 =	simm.s32 @p1 $0x1  }
0x15: {  	[smem:$0x3FB9] =	sst s0;
	s0 =	simm.s32 @!p2 $0x0  }
0x16: {  	s3 =	sld [smem:$0x3FDB];
	s0 =	simm.s32 @p2 $0x1  }
0x17: {  	s4 =	simm.s32 $0x1BF5;
	[smem:$0x3FBB] =	sst s0  }
0x18: {  	s0 =	sld [smem:$0x3F9E];
	_ =	swait.ge [sflag:s4], $0x0  }
0x19: {  	s7 =	sld [smem:$0x3F9F]  }
0x1a: {  	s8 =	sadd.s32 $0xFFFFE003, lr  }
0x1b: {  	s9 =	sadd.s32 $0xFFFFFEF7, lr;
	s5 =	simm.s32 $0xFFFFFFFF;
	p2 =	slt.u32 s8, $0xFFFFF086  }
0x1c: {  	p1 =	slt.u32 s9, $0xF7A;
	s5 =	simm.s32 @!p2 $0x0  }
0x1d: {  	s5 =	simm.s32 @p1 $0x1;
	p0 =	seq.s32 s7, s2  }
0x1e: {  	s7 =	smul.u32 @!p0 $0xF7A, s2;
	p2 =	seq.s32 @!p0 s5, $0x0  }
0x1f: {  	s9 =	smul.u32 $0xF7A, s1;
	s8 =	simm.s32 @!p0 $0x1BF5;
	p2 =	por !p2, p0  }
0x20: {  	[sflag:s8] =	ssyncset.s32 @!p0 $0xFFFFF086;
	s6 =	sadd.s32 @!p0 s3, s7;
	s7 =	simm.s32 @!p0 $0x108  }
0x21: {  	s3 =	sadd.s32 s3, s9;
	s6 =	sadd.s32 @!p0 $0x88, s6;
	s7 =	simm.s32 @p2 $0x1082  }
0x22: {  	[simem:s7], [sflag:s8] =	dma.local @!p0 [hbm:s6], $0xF7A  }
0x23: {  	s9 =	sor.u32 $0xD0000000, s2;
	s6 =	simm.s32 $0x108;
	_ =	swait.ge @!p0 [sflag:s8], $0x0  }
0x24: {  	s3 =	sadd.s32 $0x88, s3;
	s6 =	simm.s32 @!p1 $0x1082;
	[sflag:s4] =	ssyncset.s32 $0xFFFFF086  }
0x25: {  	[simem:s6], [sflag:s4] =	dma.local [hbm:s3], $0xF7A  }
0x26: {  	[smem:$0x3F9F] =	sst s1;
	(tag) =	ssettag s2;
	_ =	strace s9  }
0x27: {  	s1 =	sld [smem:$0x3FAF]  }
0x28: {  	s2 =	sld [smem:$0x3FB0]  }
0x29: {  	s4 =	sld [smem:$0x3FB2]  }
0x2a: {  	p0 =	seq.s32 s5, $0x0;
	s5 =	sld [smem:$0x3FB3]  }
0x2b: {  	s6 =	sld [smem:$0x3FB4]  }
0x2c: {  	s7 =	sld [smem:$0x3FB5]  }
0x2d: {  	s3 =	simm.s32 $0x108;
	s8 =	sld [smem:$0x3FB6]  }
0x2e: {  	s3 =	simm.s32 @!p0 $0x1082;
	s9 =	sld [smem:$0x3FB7]  }
0x2f: {  	lr =	sadd.s32 s0, s3;
	s0 =	sld [smem:$0x3FAE]  }
0x30: {  	s3 =	sld [smem:$0x3FB1]  }
0x31: {  	[smem:$0x3FBA] =	sst s10  }
0x32: {  	s10 =	sld [smem:$0x3FB8];
	_ =	sdelay $0x3  }
0x33: {  	p0 =	seq.s32 s10, $0x1;
	s10 =	sld [smem:$0x3FBA];
	_ =	sdelay $0x3  }
0x34: {  	[smem:$0x3FBA] =	sst s10  }
0x35: {  	s10 =	sld [smem:$0x3FB9];
	_ =	sdelay $0x3  }
0x36: {  	p1 =	seq.s32 s10, $0x1;
	s10 =	sld [smem:$0x3FBA];
	_ =	sdelay $0x3  }
0x37: {  	[smem:$0x3FBA] =	sst s10  }
0x38: {  	s10 =	sld [smem:$0x3FBB]  }
0x39: {  	_ = 	snop;
	(pc) =	sbr.ind lr, $3  }
0x3a: {  	_ = 	snop  }
0x3b: {  	_ = 	snop  }
0x3c: {  	p2 =	seq.s32 s10, $0x1;
	s10 =	sld [smem:$0x3FBA]  }
0x3d: {  	_ =	shalt  }
0x3e: {  	_ =	shalt  }
0x3f: {  	_ =	shalt  }
0x40: {  	_ =	shalt  }
0x41: {  	_ =	shalt  }
0x42: {  	_ =	shalt  }
0x43: {  	_ =	shalt  }
0x44: {  	_ =	shalt  }
0x45: {  	_ =	shalt  }
0x46: {  	_ =	shalt  }
0x47: {  	_ =	shalt  }
0x48: {  	_ =	shalt  }
0x49: {  	_ =	shalt  }
0x4a: {  	_ =	shalt  }
0x4b: {  	_ =	shalt  }
0x4c: {  	_ =	shalt  }
0x4d: {  	_ =	shalt  }
0x4e: {  	_ =	shalt  }
0x4f: {  	_ =	shalt  }
0x50: {  	_ =	shalt  }
0x51: {  	_ =	shalt  }
0x52: {  	_ =	shalt  }
0x53: {  	_ =	shalt  }
0x54: {  	_ =	shalt  }
0x55: {  	_ =	shalt  }
0x56: {  	_ =	shalt  }
0x57: {  	_ =	shalt  }
0x58: {  	_ =	shalt  }
0x59: {  	_ =	shalt  }
0x5a: {  	_ =	shalt  }
0x5b: {  	_ =	shalt  }
0x5c: {  	_ =	shalt  }
0x5d: {  	_ =	shalt  }
0x5e: {  	_ =	shalt  }
0x5f: {  	_ =	shalt  }
0x60: {  	_ =	shalt  }
0x61: {  	_ =	shalt  }
0x62: {  	_ =	shalt  }
0x63: {  	_ =	shalt  }
0x64: {  	_ =	shalt  }
0x65: {  	_ =	shalt  }
0x66: {  	_ =	shalt  }
0x67: {  	_ =	shalt  }
0x68: {  	_ =	shalt  }
0x69: {  	_ =	shalt  }
0x6a: {  	_ =	shalt  }
0x6b: {  	_ =	shalt  }
0x6c: {  	_ =	shalt  }
0x6d: {  	_ =	shalt  }
0x6e: {  	_ =	shalt  }
0x6f: {  	_ =	shalt  }
0x70: {  	_ =	shalt  }
0x71: {  	_ =	shalt  }
0x72: {  	_ =	shalt  }
0x73: {  	_ =	shalt  }
0x74: {  	_ =	shalt  }
0x75: {  	_ =	shalt  }
0x76: {  	_ =	shalt  }
0x77: {  	_ =	shalt  }
0x78: {  	_ =	shalt  }
0x79: {  	_ =	shalt  }
0x7a: {  	_ =	shalt  }
0x7b: {  	_ =	shalt  }
0x7c: {  	_ =	shalt  }
0x7d: {  	_ =	shalt  }
0x7e: {  	_ =	shalt  }
0x7f: {  	_ =	shalt  }
0x80: {  	_ =	shalt  }
0x81: {  	_ =	shalt  }
0x82: {  	_ =	shalt  }
0x83: {  	_ =	shalt  }
0x84: {  	_ =	shalt  }
0x85: {  	_ =	shalt  }
0x86: {  	_ =	shalt  }
0x87: {  	_ =	shalt  }
.Lfunc_end0:
.L_simem_size_0:
called_computation_lowered:
.L_overlay_start_0:
0x88: {  	s2 =	sld [smem:$0x3FD9]  }
0x89: {  	s3 =	sld [smem:$0x3FFE];
	_ =	sdelay $0x1  }
0x8a: {  	s1 =	srdreg.scid  }
0x8b: {  	s0 =	sand.u32 $0x1, s1  }
0x8c: {  	s17 =	sshll.u32 s0, $0xA;
	s2 =	sadd.s32 s3, s2  }
0x8d: {  	s2 =	sadd.s32 s2, s17  }
0x8e: {  	[smem:$0x3FC6] =	sst s2  }
0x8f: {  	_ = 	snop  }
0x90: {  	s2 =	sld [smem:$0x3FC9]  }
0x91: {  	s18 =	sld [smem:$0x3FC8];
	(tm) =	ssettm $0x1  }
0x92: {  	s4 =	sld [smem:$0x3FFB];
	_ =	sdelay $0x3  }
0x93: {  	_ =	strace s4  }
0x94: {  	s4 =	sld [smem:$0x3FFC];
	_ =	sdelay $0x3  }
0x95: {  	_ =	strace s4  }
0x96: {  	s4 =	sld [smem:$0x3FFD];
	_ =	sdelay $0x3  }
0x97: {  	_ =	strace s4  }
0x98: {  	_ =	strace $0x8FFFFFFF  }
0x99: {  	s19 =	sld [smem:$0x3FDB];
	_ =	sdelay $0x1  }
0x9a: {  	s5 =	simm.s32 $_scs_section_size  }
0x9b: {  	s6 =	simm.s32 $_size__tile_overlayer_lowered;
	s7 =	simm.s32 $_tile_overlayer_lowered  }
0x9c: {  	s22 =	simm.s32 $0x1BFF;
	s21 =	sshll.u32 s7, $0x1;
	s4 =	sadd.s32 s5, s19  }
0x9d: {  	s8 =	simm.s32 $0x0;
	s20 =	sshll.u32 s6, $0x1;
	s6 =	sadd.s32 s21, s4  }
0x9e: {  	[timem:s8], [sflag:s22] =	dma.local [hbm:s6], s20  }
0x9f: {  	_ =	swait.ge [sflag:s22], s20  }
0xa0: {  	s5 =	ssub.s32 $0x0, s20;
	[sflag:s22] =	ssyncset.done $0x0  }
0xa1: {  	[sflag:s22] =	ssyncadd.s32 s5;
	_ =	sdelay $0x1  }
0xa2: {  	s23 =	simm.s32 $0x1B8B  }
0xa3: {  	_ =	swait.ge [sflag:s23], $0x1  }
0xa4: {  	[sflag:s23] =	ssyncset.done $0x0  }
0xa5: {  	s25 =	simm.s32 $0x1B8E;
	s24 =	sld [smem:$0x3FFE];
	[sflag:s23] =	ssyncadd.s32 $0xFFFFFFFF  }
0xa6: {  	s26 =	simm.s32 $execute0_lowered;
	[smem:$0x3FD2] =	sst s25  }
0xa7: {  	s6 =	sshll.u32 s26, $0x1;
	_ =	strace $0x80000046;
	[dreg:$0x1] =	wrdreg $0xFFFFFFFF  }
0xa8: {  	s28 =	simm.s32 $_size_execute0_lowered;
	s4 =	sadd.s32 s4, s6;
	[dreg:$0x0] =	wrdreg $0x0  }
0xa9: {  	s6 =	sshll.u32 s28, $0x1;
	[dreg:$0x2] =	wrdreg s4  }
0xaa: {  	[dreg:$0x3] =	wrdreg s6  }
0xab: {  	[dreg:$0x4] =	wrdreg $0xC0  }
0xac: {  	_ =	task [dreg:s8], $0x5FFFF  }
0xad: {  	[dreg:$0x1] =	wrdreg $0xFFFFFFFF  }
0xae: {  	[dreg:$0x0] =	wrdreg $0x60  }
0xaf: {  	[dreg:$0x2] =	wrdreg s2  }
0xb0: {  	[dreg:$0x3] =	wrdreg s18  }
0xb1: {  	[dreg:$0x4] =	wrdreg s24  }
0xb2: {  	[dreg:$0x5] =	wrdreg $0x9  }
0xb3: {  	_ =	task.clear_ibuf [dreg:s8], $0x6FFFF;
	_ =	strace $0x90000046  }
0xb4: {  	s29 =	simm.s32 $0x9;
	_ =	strace $0x80000048  }
0xb5: {  	_ =	swait.ge [sflag:s29], $0x1  }
0xb6: {  	[sflag:s29] =	ssyncadd.s32 $0xFFFFFFFF  }
0xb7: {  	_ =	strace $0x90000048  }
0xb8: {  	_ =	sfence  }
0xb9: {  	s30 =	sld [smem:$0x0];
	_ =	sdelay $0x2  }
0xba: {  	s31 =	sshll.u32 s1, $0xD;
	s1 =	sshrl.u32 s1, $0x2  }
0xbb: {  	s3 =	sand.u32 $0x4000, s31;
	s1 =	sadd.s32 s1, s30  }
0xbc: {  	s0 =	sor.u32 s3, s0;
	s1 =	sshll.u32 s1, $0x11  }
0xbd: {  	s0 =	sor.u32 s1, s0  }
0xbe: {  	s0 =	sadd.s32 $0x8F2B, s0  }
0xbf: {  	[sflag:s0] =	ssyncadd.remote.s32 $0x1  }
0xc0: {  	_ =	sfence.sel $0xFFFF  }
0xc1: {  	[dreg:$0x0] =	wrdreg $0xFFFFFFFF;
	(pc) =	sbr.abs _section_cstart, $3  }
0xc2: {  	[dreg:$0x1] =	wrdreg $0xFFFFFFFF  }
0xc3: {  	_ =	task.clear_ibuf [dreg:s8], $0x2FFFF;
	_ =	strace $0x9FFFFFFF  }
0xc4: {  	(tm) =	ssettm $0x7FFFFFFF  }
0xc5: {  	_ =	shalt  }
tec
execute0_lowered:
.L_overlay_start_1:
0x0: {  	(tag) =	ssettag $0x1  }
0x1: {  	s4 =	rddreg [dreg:$0x0]  }
0x2: {  	s1 =	rddreg [dreg:$0x1]  }
0x3: {  	s5 =	rddreg [dreg:$0x2]  }
0x4: {  	s0 =	rddreg [dreg:$0x3];
	s6 =	srdreg.scid  }
0x5: {  	s3 =	simm.s32 $0x0;
	s2 =	stileid.u32;
	s6 =	sand.u32 $0x1, s6  }
0x6: {  	s10 =	simm.s32 $0x0;
	s7 =	sshll.u32 s2, $0xA;
	s8 =	sshll.u32 s6, $0x9  }
0x7: {  	[smem:$0x7FF] =	sst s3;
	s6 =	ssub.s32 $0x2, s6;
	s7 =	sor.u32 s8, s7  }
0x8: {  	_ =	strace $0x80000047;
	s9 =	sshrl.u32 s6, $0x1;
	s8 =	sshll.u32 s7, $0x4  }
0x9: {  	s7 =	sshrl.u32 s7, $0x3;
	s6 =	ssub.s32 s6, s9;
	s9 =	simm.s32 $0x1  }
0xa: {  	s5 =	sadd.s32 s8, s5;
	s4 =	sadd.s32 s4, s7;
	s6 =	smax.u32 s6, $0x1  }
0xb: {  	s7 =	simm.s32 $0x2;
	s8 =	simm.s32 $0x200;
	s5 =	sadd.s32 $0x400, s5  }
.LBB2_1:
0xc: {  	[tilespmem:s3], [sflag:$0x2] =	stream.linear.gather [hbm4b:s4+s3], $0x200, $0x38;
	[tilespmem:$0x10200] =	vst v63  }
0xd: {  	_ =	swait.ge [sflag:s7], $0x200  }
0xe: {  	[sflag:s7] =	ssyncset.done $0x0  }
0xf: {  	[sflag:s7] =	ssyncadd.s32 $0xFFFFFE00  }
0x10: {  	[tilespmem:s8], [sflag:$0x1] =	stream.indirect.gather [hbm4b:s1+s8], $0x80, s3, s8, $0xb8;
	[tilespmem:$0x10200] =	vst v63  }
0x11: {  	_ =	swait.ge [sflag:s9], $0x10000  }
0x12: {  	[sflag:s9] =	ssyncset.done $0x0  }
0x13: {  	s11 =	simm.s32 $0x280;
	[sflag:s9] =	ssyncadd.s32 $0xFFFF0000  }
0x14: {  	v0 =	vld [tilespmem:s11+$0xFFFFFF80]  }
0x15: {  	v1 =	vld [tilespmem:s11+$0x60]  }
0x16: {  	v2 =	vld [tilespmem:s11+$0x70]  }
0x17: {  	v3 =	vld [tilespmem:s11+$0x50]  }
0x18: {  	v4 =	vld [tilespmem:s11+$0x20]  }
0x19: {  	v0 =	vsub.f32 $0.0e+00, v0  }
0x1a: {  	v5 =	vld [tilespmem:s11+$0x30];
	v1 =	vsub.f32 $0.0e+00, v1  }
0x1b: {  	v2 =	vsub.f32 $0.0e+00, v2;
	v0 =	vmul.f32 $1.442695020e+00, v0  }
0x1c: {  	v3 =	vsub.f32 $0.0e+00, v3;
	v1 =	vmul.f32 $1.442695020e+00, v1  }
0x1d: {  	v2 =	vmul.f32 $1.442695020e+00, v2;
	(erf) = vpow2.f32 v0;
	v0 =	vsub.f32 $0.0e+00, v4  }
0x1e: {  	v3 =	vmul.f32 $1.442695020e+00, v3;
	(erf) = vpow2.f32 v1;
	v1 =	vld [tilespmem:s11+$0x10]  }
0x1f: {  	v4 =	vsub.f32 $0.0e+00, v5;
	v0 =	vmul.f32 $1.442695020e+00, v0;
	(erf) = vpow2.f32 v2;
	v2 =	vld [tilespmem:s11+$0xFFFFFFF0]  }
0x20: {  	(erf) = vpow2.f32 v3;
	v3 =	vld [tilespmem:s11+$0xFFFFFFE0]  }
0x21: {  	v4 =	vmul.f32 $1.442695020e+00, v4;
	(erf) = vpow2.f32 v0;
	v0 =	vld [tilespmem:s11+$0xFFFFFFD0];
	_ =	sdelay $0x1  }
0x22: {  	(erf) = vpow2.f32 v4;
	v1 =	vsub.f32 $0.0e+00, v1  }
0x23: {  	v4 =	vld [tilespmem:s11+$0x0];
	v2 =	vsub.f32 $0.0e+00, v2  }
0x24: {  	v5 =	vld [tilespmem:s11+$0xFFFFFF90];
	v1 =	vmul.f32 $1.442695020e+00, v1;
	v3 =	vsub.f32 $0.0e+00, v3  }
0x25: {  	v0 =	vsub.f32 $0.0e+00, v0;
	v2 =	vmul.f32 $1.442695020e+00, v2  }
0x26: {  	v6 =	vld [tilespmem:s11+$0xFFFFFFB0];
	v7 =	vpop (erf);
	v3 =	vmul.f32 $1.442695020e+00, v3  }
0x27: {  	v8 =	vld [tilespmem:s11+$0xFFFFFFC0];
	v9 =	vpop (erf);
	v0 =	vmul.f32 $1.442695020e+00, v0  }
0x28: {  	v4 =	vsub.f32 $0.0e+00, v4;
	(erf) = vpow2.f32 v1;
	v1 =	vpop (erf)  }
0x29: {  	v5 =	vsub.f32 $0.0e+00, v5;
	(erf) = vpow2.f32 v2;
	v2 =	vpop (erf)  }
0x2a: {  	v4 =	vmul.f32 $1.442695020e+00, v4;
	(erf) = vpow2.f32 v3;
	v3 =	vpop (erf)  }
0x2b: {  	v10 =	vld [tilespmem:s11+$0xFFFFFFA0];
	v6 =	vsub.f32 $0.0e+00, v6;
	v5 =	vmul.f32 $1.442695020e+00, v5;
	(erf) = vpow2.f32 v0;
	v0 =	vpop (erf)  }
0x2c: {  	v8 =	vsub.f32 $0.0e+00, v8;
	(erf) = vpow2.f32 v4;
	v0 =	vadd.f32 $1.000000000e+00, v0  }
0x2d: {  	v4 =	vmul.f32 $1.442695020e+00, v6;
	(erf) = vpow2.f32 v5  }
0x2e: {  	v5 =	vmul.f32 $1.442695020e+00, v8;
	(erf) = vrcp.f32 v0  }
0x2f: {  	(erf) = vpow2.f32 v4  }
0x30: {  	v0 =	vsub.f32 $0.0e+00, v10;
	(erf) = vpow2.f32 v5  }
0x31: {  	v11 =	vpop (erf)  }
0x32: {  	v4 =	vpop (erf);
	v0 =	vmul.f32 $1.442695020e+00, v0  }
0x33: {  	v1 =	vadd.f32 $1.000000000e+00, v1;
	v2 =	vadd.f32 $1.000000000e+00, v2;
	v10 =	vpop (erf)  }
0x34: {  	v5 =	vpop (erf);
	(erf) = vpow2.f32 v0  }
0x35: {  	v13 =	vpop (erf);
	(erf) = vrcp.f32 v1;
	v1 =	vadd.f32 $1.000000000e+00, v3  }
0x36: {  	v0 =	vadd.f32 $1.000000000e+00, v7;
	v7 =	vpop (erf)  }
0x37: {  	(erf) = vrcp.f32 v2;
	v2 =	vpop (erf)  }
0x38: {  	v3 =	vadd.f32 $1.000000000e+00, v9;
	(erf) = vrcp.f32 v0;
	v9 =	vpop (erf)  }
0x39: {  	v0 =	vld [tilespmem:s11+$0x40];
	(erf) = vrcp.f32 v1;
	v1 =	vpop (erf)  }
0x3a: {  	v1 =	vadd.f32 $1.000000000e+00, v1  }
0x3b: {  	(erf) = vrcp.f32 v3  }
0x3c: {  	(xrf2) =	vadd.scan.msk.f32 $0xffff, v2;
	_ =	sdelay $0x1  }
0x3d: {  	v4 =	vadd.f32 $1.000000000e+00, v4;
	v0 =	vsub.f32 $0.0e+00, v0;
	(erf) = vrcp.f32 v1;
	v1 =	vpop (erf)  }
0x3e: {  	v6 =	vpop (erf)  }
0x3f: {  	v0 =	vmul.f32 $1.442695020e+00, v0;
	v8 =	vpop (erf)  }
0x40: {  	v3 =	vpop (erf);
	(erf) = vrcp.f32 v4  }
0x41: {  	v12 =	vadd.f32 $1.000000000e+00, v5;
	(xrf2) =	vadd.scan.msk.f32 $0xffff, v3;
	v4 =	vpop (erf);
	(erf) = vpow2.f32 v0;
	_ =	sdelay $0x1  }
0x42: {  	v5 =	vpop (erf);
	(xrf2) =	vadd.scan.msk.f32 $0xffff, v8;
	(erf) = vrcp.f32 v12;
	_ =	sdelay $0x1  }
0x43: {  	v14, _, _ =	vpop (xrf2);
	(xrf2) =	vadd.scan.msk.f32 $0xffff, v6  }
0x44: {  	v0 =	vpop (erf)  }
0x45: {  	(xrf2) =	vadd.scan.msk.f32 $0xffff, v0  }
0x46: {  	v1 =	vadd.f32 $1.000000000e+00, v1  }
0x47: {  	v12 =	vpop (erf)  }
0x48: {  	s13 =	simm.s32 $0x380;
	(v2sf) =	vpush v14, $0xF;
	v14 =	vpop (erf)  }
0x49: {  	v16 =	vld [tilespmem:s13+$0xFFFFFF80];
	v9 =	vadd.f32 $1.000000000e+00, v9;
	(erf) = vrcp.f32 v1;
	v15, _, _ =	vpop (xrf2);
	(xrf2) =	vadd.scan.msk.f32 $0xffff, v4  }
0x4a: {  	v1 =	vpop (erf);
	v14 =	vadd.f32 $1.000000000e+00, v14  }
0x4b: {  	v7 =	vadd.f32 $1.000000000e+00, v7;
	(erf) = vrcp.f32 v9;
	(v2sf) =	vpush v15, $0xF;
	v15, _, _ =	vpop (xrf2);
	(xrf2) =	vadd.scan.msk.f32 $0xffff, v1  }
0x4c: {  	v13 =	vadd.f32 $1.000000000e+00, v13;
	(erf) = vrcp.f32 v14  }
0x4d: {  	v9 =	vld [tilespmem:s13+$0x60];
	(v2sf) =	vpush v15, $0xF;
	v15, _, _ =	vpop (xrf2);
	(xrf2) =	vadd.scan.msk.f32 $0xffff, v5;
	(erf) = vrcp.f32 v7  }
0x4e: {  	v18 =	vld [tilespmem:s13+$0x20];
	v10 =	vadd.f32 $1.000000000e+00, v10;
	(erf) = vrcp.f32 v13;
	v13 =	vsub.f32 $0.0e+00, v16  }
0x4f: {  	v25 =	vld [tilespmem:s13+$0xFFFFFFE0];
	(v2sf) =	vpush v15, $0xF;
	v17, _, _ =	vpop (xrf2)  }
0x50: {  	v28 =	vld [tilespmem:s13+$0xFFFFFFD0];
	(v2sf) =	vpush v17, $0xF;
	(erf) = vrcp.f32 v10;
	v10 =	vmul.f32 $1.442695020e+00, v13  }
0x51: {  	v11 =	vadd.f32 $1.000000000e+00, v11;
	v15 =	vld [tilespmem:s13+$0x70]  }
0x52: {  	v9 =	vsub.f32 $0.0e+00, v9;
	v14 =	vpop (erf);
	v17 =	vld [tilespmem:s13+$0x50]  }
0x53: {  	v7 =	vld [tilespmem:s13+$0x40];
	(xrf2) =	vadd.scan.msk.f32 $0xffff, v14;
	(erf) = vrcp.f32 v11;
	v19, _, _ =	vpop (xrf2)  }
0x54: {  	v16 =	vld [tilespmem:s13+$0x30];
	(erf) = vpow2.f32 v10;
	v10 =	vpop (erf)  }
0x55: {  	v13 =	vld [tilespmem:s13+$0x10];
	v22, _, _ =	vpop (xrf2)  }
0x56: {  	v21 =	vld [tilespmem:s13+$0x0];
	v24 =	vsub.f32 $0.0e+00, v18;
	v26 =	vmul.f32 $1.442695020e+00, v9;
	v9 =	vpop (erf)  }
0x57: {  	v30 =	vsub.f32 $0.0e+00, v25;
	v11 =	vsub.f32 $0.0e+00, v17;
	v17, _, _ =	vpop (xrf2);
	(xrf2) =	vadd.scan.msk.f32 $0xffff, v9  }
0x58: {  	v29 =	vld [tilespmem:s13+$0xFFFFFFC0];
	s12 =	spop (v2sf);
	v7 =	vsub.f32 $0.0e+00, v7;
	(v2sf) =	vpush v17, $0xF  }
0x59: {  	v23 =	vld [tilespmem:s13+$0xFFFFFFF0];
	v33 =	vsub.f32 $0.0e+00, v28;
	v16 =	vsub.f32 $0.0e+00, v16  }
0x5a: {  	v24 =	vmul.f32 $1.442695020e+00, v24;
	v20 =	vsub.f32 $0.0e+00, v15;
	v13 =	vsub.f32 $0.0e+00, v13  }
0x5b: {  	v32 =	vld [tilespmem:s13+$0xFFFFFFB0];
	v18 =	vmul.f32 $1.442695020e+00, v16;
	v16 =	vsub.f32 $0.0e+00, v21;
	v31 =	vmul.f32 $1.442695020e+00, v11;
	(xrf2) =	vadd.scan.msk.f32 $0xffff, v10;
	v11 =	vpop (erf)  }
0x5c: {  	v25 =	vld [tilespmem:s13+$0xFFFFFFA0];
	s12 =	sadd.f32 $9.999999960e-13, s12;
	v20 =	vmul.f32 $1.442695020e+00, v20;
	v17 =	vmul.f32 $1.442695020e+00, v7;
	v7 =	vpop (erf);
	s28 =	spop (v2sf);
	(v2sf) =	vpush v22, $0xF  }
0x5d: {  	v29 =	vsub.f32 $0.0e+00, v29;
	v28 =	vld [tilespmem:s13+$0xFFFFFF90];
	v30 =	vmul.f32 $1.442695020e+00, v30;
	(erf) = vpow2.f32 v26;
	v27, _, _ =	vpop (xrf2);
	s16 =	sadd.f32 $9.999999960e-13, s28;
	s29 =	spop (v2sf)  }
0x5e: {  	v21 =	vsub.f32 $0.0e+00, v23;
	v23 =	vmul.f32 $1.442695020e+00, v13;
	v13 =	vpop (erf);
	(erf) = vpow2.f32 v20;
	s17 =	sadd.f32 $9.999999960e-13, s29;
	s30 =	spop (v2sf)  }
0x5f: {  	v15 =	vmov s12;
	v22 =	vmul.f32 $1.442695020e+00, v16;
	v16 =	vpop (erf);
	(erf) = vpow2.f32 v31;
	(xrf2) =	vadd.scan.msk.f32 $0xffff, v13;
	s18 =	sadd.f32 $9.999999960e-13, s30;
	s31 =	spop (v2sf)  }
0x60: {  	s15 =	simm.s32 $0x2;
	s12 =	simm.s32 $0x380;
	v26 =	vmul.f32 $1.442695020e+00, v21;
	v31 =	vsub.f32 $0.0e+00, v32;
	v32 =	vmul.f32 $1.442695020e+00, v33;
	v20 =	vpop (erf);
	s14 =	sadd.f32 $9.999999960e-13, s31  }
.LBB2_2:
0x61: {  	s15 =	sadd.s32 $0x2, s15;
	v21 =	vsub.f32 $0.0e+00, v25;
	v25 =	vmul.f32 $1.442695020e+00, v29;
	(erf) = vpow2.f32 v24;
	v24, _, _ =	vpop (xrf2)  }
0x62: {  	p0 =	slt.u32 s15, $0x1FE;
	v28 =	vsub.f32 $0.0e+00, v28;
	(erf) = vpow2.f32 v18;
	(v2sf) =	vpush v27, $0xF;
	(xrf2) =	vadd.scan.msk.f32 $0xffff, v16;
	v18 =	vmovc v12  }
0x63: {  	v12 =	vmul.f32 $1.442695020e+00, v31;
	v27 =	vmov s17  }
0x64: {  	v21 =	vmul.f32 $1.442695020e+00, v21;
	(erf) = vpow2.f32 v23  }
0x65: {  	(erf) = vpow2.f32 v26;
	v23, _, _ =	vpop (xrf2)  }
0x66: {  	v26 =	vmul.f32 $1.442695020e+00, v28;
	(erf) = vpow2.f32 v30;
	v28 =	vpop (erf)  }
0x67: {  	(erf) = vpow2.f32 v32;
	v29 =	vpop (erf);
	(v2sf) =	vpush v23, $0xF;
	s17 =	spop (v2sf)  }
0x68: {  	(erf) = vpow2.f32 v22;
	v22 =	vpop (erf)  }
0x69: {  	v31 =	vmov s18;
	v30, _, _ =	vpop (xrf2);
	(erf) = vrcp.f32 v27  }
0x6a: {  	s17 =	sadd.f32 $9.999999960e-13, s17;
	v27 =	vpop (erf);
	(xrf2) =	vadd.scan.msk.f32 $0xffff, v11;
	(v2sf) =	vpush v30, $0xF;
	(erf) = vrcp.f32 v31  }
0x6b: {  	v23 =	vpop (erf);
	s18 =	spop (v2sf)  }
0x6c: {  	v28 =	vadd.f32 $1.000000000e+00, v28;
	v30 =	vmov s17;
	v23 =	vadd.f32 $1.000000000e+00, v23;
	v31, _, _ =	vpop (xrf2)  }
0x6d: {  	s17 =	sadd.f32 $9.999999960e-13, s18;
	(erf) = vpow2.f32 v26;
	v26 =	vpop (erf);
	(v2sf) =	vpush v19, $0xF  }
0x6e: {  	v19 =	vadd.f32 $1.000000000e+00, v29;
	v29 =	vpop (erf);
	(erf) = vrcp.f32 v23  }
0x6f: {  	v23 =	vadd.f32 $1.000000000e+00, v27;
	(erf) = vpow2.f32 v12;
	v12 =	vpop (erf);
	(v2sf) =	vpush v31, $0xF  }
0x70: {  	v20 =	vadd.f32 $1.000000000e+00, v20;
	v27 =	vadd.f32 $1.000000000e+00, v29;
	(erf) = vpow2.f32 v25;
	v25 =	vpop (erf)  }
0x71: {  	v31 =	vadd.f32 $1.000000000e+00, v22;
	v25 =	vadd.f32 $1.000000000e+00, v25;
	(erf) = vpow2.f32 v21;
	v21 =	vpop (erf);
	s18 =	spop (v2sf)  }
0x72: {  	(erf) = vrcp.f32 v19;
	s18 =	sadd.f32 $9.999999960e-13, s18;
	v19 =	vmov s17;
	v29 =	vpop (erf)  }
0x73: {  	(erf) = vrcp.f32 v31;
	v8 =	vmul.f32 v29, v8;
	v22 =	vpop (erf)  }
0x74: {  	(erf) = vrcp.f32 v20;
	v20, _, _ =	vpop (xrf2);
	(xrf2) =	vadd.scan.msk.f32 $0xffff, v18  }
0x75: {  	v6 =	vmul.f32 v22, v6;
	[tilespmem:s11+$0x50] =	vst v8;
	(v2sf) =	vpush v20, $0xF  }
0x76: {  	v8 =	vmov s18;
	v29 =	vpop (erf);
	(erf) = vrcp.f32 v23;
	s17 =	spop (v2sf);
	(v2sf) =	vpush v24, $0xF  }
0x77: {  	v20 =	vpop (erf);
	s17 =	sadd.f32 $9.999999960e-13, s17;
	[tilespmem:s11+$0x70] =	vst v6;
	(erf) = vrcp.f32 v8;
	(xrf2) =	vadd.scan.msk.f32 $0xffff, v7  }
0x78: {  	v24 =	vpop (erf)  }
0x79: {  	v6 =	vpop (erf);
	v31 =	vmov s17;
	s17 =	spop (v2sf);
	(erf) = vrcp.f32 v30  }
0x7a: {  	v23 =	vadd.f32 $1.000000000e+00, v6;
	v30 =	vpop (erf);
	(xrf2) =	vadd.scan.msk.f32 $0xffff, v20;
	(erf) = vrcp.f32 v28;
	s17 =	sadd.f32 $9.999999960e-13, s17  }
0x7b: {  	v6 =	vpop (erf)  }
0x7c: {  	v22 =	vadd.f32 $1.000000000e+00, v26;
	v26 =	vmov s16;
	(erf) = vrcp.f32 v23;
	v8 =	vpop (erf);
	s16 =	spop (v2sf)  }
0x7d: {  	v23 =	vadd.f32 $1.000000000e+00, v12;
	v32 =	vmov s17;
	v28 =	vpop (erf);
	s16 =	sadd.f32 $9.999999960e-13, s16;
	(erf) = vrcp.f32 v26  }
0x7e: {  	(erf) = vrcp.f32 v27;
	v12, _, _ =	vpop (xrf2);
	s17 =	spop (v2sf)  }
0x7f: {  	(xrf2) =	vadd.scan.msk.f32 $0xffff, v28;
	v26 =	vpop (erf);
	(erf) = vpow2.f32 v17;
	s17 =	sadd.f32 $9.999999960e-13, s17;
	v17 =	vmov s16  }
0x80: {  	v27 =	vadd.f32 $1.000000000e+00, v29;
	v29 =	vpop (erf)  }
0x81: {  	v33 =	vmov s17;
	(v2sf) =	vpush v12, $0xF;
	v12, _, _ =	vpop (xrf2);
	(erf) = vrcp.f32 v17  }
0x82: {  	v14 =	vmul.f32 v29, v14;
	(xrf2) =	vadd.scan.msk.f32 $0xffff, v8;
	(v2sf) =	vpush v12, $0xF;
	(erf) = vrcp.f32 v33;
	v12 =	vpop (erf)  }
0x83: {  	v17 =	vadd.f32 $1.000000000e+00, v21;
	v12 =	vmul.f32 v12, v5;
	v5 =	vpop (erf)  }
0x84: {  	v29, _, _ =	vpop (xrf2);
	[tilespmem:s11+$0xFFFFFFA0] =	vst v14;
	s16 =	spop (v2sf);
	(erf) = vrcp.f32 v31  }
0x85: {  	v21 =	vpop (erf);
	(erf) = vrcp.f32 v25;
	(v2sf) =	vpush v29, $0xF;
	(xrf2) =	vadd.scan.msk.f32 $0xffff, v6;
	s16 =	sadd.f32 $9.999999960e-13, s16;
	[tilespmem:s11+$0x60] =	vst v12;
	s17 =	spop (v2sf)  }
0x86: {  	v14 =	vadd.f32 $1.000000000e+00, v30;
	s17 =	sadd.f32 $9.999999960e-13, s17;
	v25 =	vpop (erf)  }
0x87: {  	v12 =	vpop (erf);
	v31 =	vmov s16;
	(erf) = vrcp.f32 v19  }
0x88: {  	v33 =	vmul.f32 v25, v3;
	(xrf2) =	vadd.scan.msk.f32 $0xffff, v21;
	v19 =	vpop (erf);
	v30 =	vmov s17;
	(erf) = vrcp.f32 v31  }
0x89: {  	v3 =	vmov v28;
	v19 =	vadd.f32 $1.000000000e+00, v19;
	v29, _, _ =	vpop (xrf2)  }
0x8a: {  	v24 =	vadd.f32 $1.000000000e+00, v24;
	(erf) = vrcp.f32 v14;
	[tilespmem:s11+$0xFFFFFF80] =	vst v33;
	v14 =	vpop (erf)  }
0x8b: {  	(v2sf) =	vpush v29, $0xF;
	v29 =	vmul.f32 v14, v4;
	v25 =	vpop (erf);
	(erf) = vrcp.f32 v30  }
0x8c: {  	v4 =	vmov v26;
	(xrf2) =	vadd.scan.msk.f32 $0xffff, v26;
	v28, _, _ =	vpop (xrf2);
	(erf) = vrcp.f32 v32  }
0x8d: {  	v16 =	vmul.f32 v25, v16;
	(v2sf) =	vpush v28, $0xF;
	[tilespmem:s11+$0x20] =	vst v29;
	v14 =	vpop (erf)  }
0x8e: {  	(erf) = vrcp.f32 v24;
	v24 =	vpop (erf)  }
0x8f: {  	(xrf2) =	vadd.scan.msk.f32 $0xffff, v24;
	(erf) = vrcp.f32 v19;
	v19, _, _ =	vpop (xrf2);
	[tilespmem:s11+$0x10] =	vst v16  }
0x90: {  	v10 =	vmul.f32 v14, v10;
	v14 =	vpop (erf);
	s16 =	spop (v2sf)  }
0x91: {  	v16 =	vmul.f32 v14, v1;
	s16 =	sadd.f32 $9.999999960e-13, s16;
	v14 =	vpop (erf);
	s17 =	spop (v2sf);
	(erf) = vrcp.f32 v15;
	v1 =	vmov v24  }
0x92: {  	s13 =	sadd.s32 $0x100, s13;
	(erf) = vrcp.f32 v27;
	v15, _, _ =	vpop (xrf2);
	(xrf2) =	vadd.scan.msk.f32 $0xffff, v5;
	v11 =	vmul.f32 v14, v11;
	[tilespmem:s11+$0xFFFFFFB0] =	vst v10;
	s17 =	sadd.f32 $9.999999960e-13, s17  }
0x93: {  	v24 =	vld [tilespmem:s13+$0xFFFFFF80];
	v14 =	vpop (erf);
	(v2sf) =	vpush v19, $0xF;
	[tilespmem:s11+$0xFFFFFFD0] =	vst v16;
	v19 =	vmov s16  }
0x94: {  	v16 =	vld [tilespmem:s13+$0x70];
	(v2sf) =	vpush v15, $0xF;
	s16 =	spop (v2sf);
	[tilespmem:s11+$0xFFFFFF90] =	vst v11;
	v11 =	vmov s17;
	(erf) = vrcp.f32 v19;
	v10 =	vpop (erf)  }
0x95: {  	v15 =	vmov s14;
	v25 =	vld [tilespmem:s13+$0x60];
	s16 =	sadd.f32 $9.999999960e-13, s16;
	v27 =	vmul.f32 v10, v9;
	v10 =	vpop (erf);
	(erf) = vrcp.f32 v11  }
0x96: {  	v11 =	vld [tilespmem:s13+$0x50];
	v19, _, _ =	vpop (xrf2);
	v13 =	vmul.f32 v10, v13;
	(erf) = vrcp.f32 v15  }
0x97: {  	v26 =	vld [tilespmem:s13+$0x40];
	v15 =	vmov s16;
	v10 =	vpop (erf);
	(erf) = vrcp.f32 v17;
	[tilespmem:s11+$0x40] =	vst v27  }
0x98: {  	v17 =	vsub.f32 $0.0e+00, v24;
	v24 =	vld [tilespmem:s13+$0x30];
	(xrf2) =	vadd.scan.msk.f32 $0xffff, v14;
	(erf) = vrcp.f32 v23;
	v9 =	vpop (erf);
	[tilespmem:s11+$0xFFFFFFE0] =	vst v13  }
0x99: {  	v13 =	vld [tilespmem:s13+$0x20];
	v16 =	vsub.f32 $0.0e+00, v16;
	v27, _, _ =	vpop (xrf2)  }
0x9a: {  	v31 =	vmul.f32 $1.442695020e+00, v17;
	v23 =	vld [tilespmem:s13+$0x10];
	v25 =	vsub.f32 $0.0e+00, v25;
	s14 =	spop (v2sf);
	(erf) = vrcp.f32 v22;
	v22 =	vpop (erf)  }
0x9b: {  	v28 =	vld [tilespmem:s13+$0x0];
	v29 =	vsub.f32 $0.0e+00, v11;
	v16 =	vmul.f32 $1.442695020e+00, v16;
	s16 =	sadd.f32 $9.999999960e-13, s14;
	v11 =	vpop (erf);
	v33 =	vmul.f32 v22, v2  }
0x9c: {  	v22 =	vld [tilespmem:s13+$0xFFFFFFF0];
	v26 =	vsub.f32 $0.0e+00, v26;
	v30 =	vmul.f32 $1.442695020e+00, v25;
	(erf) = vpow2.f32 v31;
	(xrf2) =	vadd.scan.msk.f32 $0xffff, v9;
	s14 =	spop (v2sf);
	v17, _, _ =	vpop (xrf2)  }
0x9d: {  	v31 =	vld [tilespmem:s13+$0xFFFFFFE0]  }
0x9e: {  	v24 =	vsub.f32 $0.0e+00, v24;
	v32 =	vmul.f32 $1.442695020e+00, v29;
	s17 =	sadd.f32 $9.999999960e-13, s14;
	(v2sf) =	vpush v17, $0xF;
	[tilespmem:s11+$0x30] =	vst v33;
	v2 =	vpop (erf)  }
0x9f: {  	v29 =	vld [tilespmem:s13+$0xFFFFFFD0];
	v37 =	vsub.f32 $0.0e+00, v13;
	v17 =	vmul.f32 $1.442695020e+00, v26;
	v2 =	vmul.f32 v2, v18;
	v25 =	vpop (erf)  }
0xa0: {  	v33 =	vld [tilespmem:s13+$0xFFFFFFC0];
	v23 =	vsub.f32 $0.0e+00, v23;
	v18 =	vmul.f32 $1.442695020e+00, v24;
	v26 =	vmul.f32 v25, v7;
	v25 =	vpop (erf)  }
0xa1: {  	v34 =	vld [tilespmem:s13+$0xFFFFFFB0];
	v35 =	vsub.f32 $0.0e+00, v28;
	v24 =	vmul.f32 $1.442695020e+00, v37;
	(xrf2) =	vadd.scan.msk.f32 $0xffff, v10;
	v7 =	vpop (erf);
	v0 =	vmul.f32 v25, v0  }
.Ltmp0:
0xa2: {  	v25 =	vld [tilespmem:s13+$0xFFFFFFA0];
	v36 =	vsub.f32 $0.0e+00, v22;
	v23 =	vmul.f32 $1.442695020e+00, v23;
	(v2sf) =	vpush v27, $0xF;
	v13 =	vpop (erf);
	[tilespmem:s11+$0x0] =	vst v26;
	(pc) =	sbr.rel @p0 .LBB2_2-.Ltmp0, $4  }
0xa3: {  	v28 =	vld [tilespmem:s13+$0xFFFFFF90];
	v31 =	vsub.f32 $0.0e+00, v31;
	v22 =	vmul.f32 $1.442695020e+00, v35;
	(erf) = vpow2.f32 v30;
	v27, _, _ =	vpop (xrf2);
	s14 =	spop (v2sf);
	[tilespmem:s11+$0xFFFFFFC0] =	vst v0  }
0xa4: {  	v35 =	vsub.f32 $0.0e+00, v29;
	v26 =	vmul.f32 $1.442695020e+00, v36;
	(erf) = vpow2.f32 v16;
	s18 =	sadd.f32 $9.999999960e-13, s14;
	s14 =	spop (v2sf);
	v16 =	vpop (erf);
	[tilespmem:s11+$0xFFFFFFF0] =	vst v2;
	s11 =	smov.u32 s12  }
0xa5: {  	v2 =	vmovc v20;
	s12 =	smov.u32 s13;
	v29 =	vsub.f32 $0.0e+00, v33;
	v30 =	vmul.f32 $1.442695020e+00, v31;
	(erf) = vpow2.f32 v32;
	s14 =	sadd.f32 $9.999999960e-13, s14;
	(xrf2) =	vadd.scan.msk.f32 $0xffff, v13  }
0xa6: {  	v0 =	vmov v21;
	v31 =	vsub.f32 $0.0e+00, v34;
	v32 =	vmul.f32 $1.442695020e+00, v35;
	v20 =	vpop (erf)  }
0xa7: {  	(erf) = vpow2.f32 v24  }
0xa8: {  	(xrf2) =	vadd.scan.msk.f32 $0xffff, v16;
	(erf) = vpow2.f32 v18;
	_ =	sdelay $0x1  }
0xa9: {  	v43, _, _ =	vpop (xrf2);
	(xrf2) =	vadd.scan.msk.f32 $0xffff, v11;
	(erf) = vpow2.f32 v23  }
0xaa: {  	(v2sf) =	vpush v27, $0xF;
	v21, _, _ =	vpop (xrf2)  }
0xab: {  	(erf) = vpow2.f32 v26;
	v44 =	vpop (erf)  }
0xac: {  	(erf) = vpow2.f32 v30;
	v45 =	vpop (erf)  }
0xad: {  	(xrf2) =	vadd.scan.msk.f32 $0xffff, v12;
	(erf) = vpow2.f32 v32;
	v47 =	vpop (erf)  }
0xae: {  	v46 =	vsub.f32 $0.0e+00, v28;
	v52, _, _ =	vpop (xrf2)  }
0xaf: {  	v48 =	vmov s17;
	v50 =	vmov s18;
	(erf) = vpow2.f32 v22;
	v49 =	vpop (erf)  }
0xb0: {  	v25 =	vsub.f32 $0.0e+00, v25;
	v26 =	vmul.f32 $1.442695020e+00, v46;
	(erf) = vrcp.f32 v48;
	v51 =	vpop (erf)  }
0xb1: {  	(v2sf) =	vpush v21, $0xF;
	(erf) = vrcp.f32 v50;
	v54, _, _ =	vpop (xrf2);
	v27 =	vadd.f32 $1.000000000e+00, v51  }
0xb2: {  	v53 =	vmul.f32 $1.442695020e+00, v31;
	(v2sf) =	vpush v52, $0xF;
	(erf) = vpow2.f32 v26;
	v31 =	vpop (erf)  }
0xb3: {  	v55 =	vmul.f32 $1.442695020e+00, v29;
	(v2sf) =	vpush v19, $0xF;
	v59, _, _ =	vpop (xrf2);
	(erf) = vrcp.f32 v27  }
0xb4: {  	v25 =	vmul.f32 $1.442695020e+00, v25;
	(v2sf) =	vpush v54, $0xF;
	v56 =	vpop (erf);
	(erf) = vpow2.f32 v53  }
0xb5: {  	v27 =	vpop (erf);
	(erf) = vpow2.f32 v55  }
0xb6: {  	(xrf2) =	vadd.scan.msk.f32 $0xffff, v7;
	v58 =	vadd.f32 $1.000000000e+00, v45;
	v57 =	vpop (erf);
	(erf) = vpow2.f32 v25  }
0xb7: {  	s13 =	spop (v2sf);
	v22 =	vadd.f32 $1.000000000e+00, v47;
	v42, _, _ =	vpop (xrf2)  }
0xb8: {  	v20 =	vadd.f32 $1.000000000e+00, v20;
	s15 =	spop (v2sf);
	(v2sf) =	vpush v59, $0xF;
	v25 =	vpop (erf);
	(erf) = vrcp.f32 v58  }
0xb9: {  	s26 =	spop (v2sf);
	v29 =	vpop (erf);
	(erf) = vrcp.f32 v22  }
0xba: {  	v60 =	vadd.f32 $1.000000000e+00, v49;
	(v2sf) =	vpush v43, $0xF;
	s17 =	sadd.f32 $9.999999960e-13, s26;
	v30 =	vpop (erf);
	(erf) = vrcp.f32 v20  }
0xbb: {  	s13 =	sadd.f32 $9.999999960e-13, s13;
	v61 =	vpop (erf)  }
0xbc: {  	v62 =	vmov s17;
	(erf) = vrcp.f32 v60;
	v18 =	vpop (erf)  }
0xbd: {  	v39 =	vadd.f32 $1.000000000e+00, v44;
	v40 =	vmov s13;
	(erf) = vrcp.f32 v62;
	v63 =	vpop (erf)  }
0xbe: {  	(erf) = vrcp.f32 v40;
	v41 =	vpop (erf)  }
0xbf: {  	(xrf2) =	vadd.scan.msk.f32 $0xffff, v18;
	v33 =	vpop (erf);
	v20 =	vadd.f32 $1.000000000e+00, v41;
	(erf) = vrcp.f32 v39  }
0xc0: {  	v45 =	vmov s16;
	v44, _, _ =	vpop (xrf2);
	(v2sf) =	vpush v42, $0xF;
	s28 =	spop (v2sf)  }
0xc1: {  	v43 =	vadd.f32 $1.000000000e+00, v56;
	(v2sf) =	vpush v44, $0xF;
	s29 =	spop (v2sf);
	v22 =	vpop (erf);
	(erf) = vrcp.f32 v20  }
0xc2: {  	s30 =	spop (v2sf);
	v23 =	vpop (erf);
	(erf) = vrcp.f32 v45  }
0xc3: {  	s16 =	sadd.f32 $9.999999960e-13, s30;
	s31 =	spop (v2sf);
	v19 =	vpop (erf);
	(erf) = vrcp.f32 v43  }
0xc4: {  	s18 =	sadd.f32 $9.999999960e-13, s31;
	(xrf2) =	vadd.scan.msk.f32 $0xffff, v19;
	(erf) = vpow2.f32 v17  }
0xc5: {  	s13 =	sadd.f32 $9.999999960e-13, s28;
	v46 =	vmov s16;
	v21 =	vpop (erf)  }
0xc6: {  	v47 =	vmov s18;
	v34 =	vpop (erf);
	(erf) = vrcp.f32 v46  }
0xc7: {  	s15 =	sadd.f32 $9.999999960e-13, s15;
	v48 =	vadd.f32 $1.000000000e+00, v57;
	v49 =	vmov s13;
	s16 =	spop (v2sf);
	(erf) = vrcp.f32 v47;
	v35 =	vpop (erf)  }
0xc8: {  	s13 =	sadd.f32 $9.999999960e-13, s16;
	v24 =	vpop (erf);
	(erf) = vrcp.f32 v49  }
0xc9: {  	v50 =	vmov s15;
	s18 =	spop (v2sf);
	v36, _, _ =	vpop (xrf2);
	(erf) = vrcp.f32 v48  }
0xca: {  	v51 =	vadd.f32 $1.000000000e+00, v33;
	s15 =	sadd.f32 $9.999999960e-13, s18;
	v52 =	vmov s13;
	v17 =	vpop (erf);
	(erf) = vrcp.f32 v50  }
0xcb: {  	s19 =	sadd.f32 $9.999999960e-13, s29;
	v37 =	vpop (erf);
	(erf) = vrcp.f32 v52  }
0xcc: {  	v53 =	vmov s15;
	v20 =	vpop (erf);
	(erf) = vrcp.f32 v51  }
0xcd: {  	v32 =	vadd.f32 $1.000000000e+00, v63;
	v54 =	vmov s19;
	v38 =	vpop (erf);
	(erf) = vrcp.f32 v53  }
0xce: {  	v56, _, _ =	vpop (xrf2);
	v55 =	vadd.f32 $1.000000000e+00, v38;
	(erf) = vrcp.f32 v54  }
0xcf: {  	s20 =	spop (v2sf);
	v39 =	vpop (erf);
	(erf) = vrcp.f32 v32  }
0xd0: {  	v57 =	vadd.f32 $1.000000000e+00, v61;
	s13 =	sadd.f32 $9.999999960e-13, s20;
	s21 =	spop (v2sf);
	v40 =	vpop (erf);
	(erf) = vrcp.f32 v55  }
0xd1: {  	s15 =	sadd.f32 $9.999999960e-13, s21;
	v41 =	vpop (erf);
	(erf) = vrcp.f32 v15  }
0xd2: {  	v58 =	vmov s13;
	v15 =	vpop (erf);
	(erf) = vrcp.f32 v57  }
0xd3: {  	v27 =	vadd.f32 $1.000000000e+00, v27;
	v59 =	vmov s15;
	v42 =	vpop (erf);
	(erf) = vrcp.f32 v58  }
0xd4: {  	v25 =	vadd.f32 $1.000000000e+00, v25;
	v60 =	vmov s14;
	v43 =	vpop (erf);
	(erf) = vrcp.f32 v59  }
0xd5: {  	v32 =	vpop (erf);
	(erf) = vrcp.f32 v60  }
0xd6: {  	v44 =	vpop (erf);
	(erf) = vrcp.f32 v25  }
0xd7: {  	v61 =	vadd.f32 $1.000000000e+00, v31;
	(xrf2) =	vadd.scan.msk.f32 $0xffff, v23;
	v45 =	vpop (erf);
	(erf) = vrcp.f32 v27  }
0xd8: {  	v27 =	vpop (erf)  }
0xd9: {  	(xrf2) =	vadd.scan.msk.f32 $0xffff, v22;
	v25 =	vpop (erf);
	(erf) = vrcp.f32 v61  }
0xda: {  	(xrf2) =	vadd.scan.msk.f32 $0xffff, v17;
	v46 =	vpop (erf)  }
0xdb: {  	(xrf2) =	vadd.scan.msk.f32 $0xffff, v21;
	v28 =	vpop (erf)  }
0xdc: {  	(xrf2) =	vadd.scan.msk.f32 $0xffff, v15;
	v47 =	vpop (erf)  }
0xdd: {  	(xrf2) =	vadd.scan.msk.f32 $0xffff, v24;
	v48 =	vpop (erf)  }
0xde: {  	(xrf2) =	vadd.scan.msk.f32 $0xffff, v32;
	v49 =	vpop (erf)  }
0xdf: {  	(xrf2) =	vadd.scan.msk.f32 $0xffff, v25;
	v26 =	vpop (erf)  }
0xe0: {  	(xrf2) =	vadd.scan.msk.f32 $0xffff, v27;
	v31 =	vpop (erf)  }
0xe1: {  	v50, _, _ =	vpop (xrf2);
	(xrf2) =	vadd.scan.msk.f32 $0xffff, v31  }
0xe2: {  	v33 =	vpop (erf)  }
0xe3: {  	(v2sf) =	vpush v36, $0xF;
	v62, _, _ =	vpop (xrf2);
	(xrf2) =	vadd.scan.msk.f32 $0xffff, v33  }
0xe4: {  	(v2sf) =	vpush v56, $0xF;
	v51, _, _ =	vpop (xrf2)  }
0xe5: {  	(v2sf) =	vpush v50, $0xF;
	v63, _, _ =	vpop (xrf2)  }
0xe6: {  	(v2sf) =	vpush v62, $0xF;
	v54, _, _ =	vpop (xrf2);
	(xrf2) =	vadd.scan.msk.f32 $0xffff, v28  }
0xe7: {  	(v2sf) =	vpush v51, $0xF;
	v55, _, _ =	vpop (xrf2)  }
0xe8: {  	(v2sf) =	vpush v55, $0xF;
	v56, _, _ =	vpop (xrf2)  }
0xe9: {  	(v2sf) =	vpush v54, $0xF;
	v57, _, _ =	vpop (xrf2)  }
0xea: {  	(v2sf) =	vpush v56, $0xF;
	v58, _, _ =	vpop (xrf2);
	(xrf2) =	vadd.scan.msk.f32 $0xffff, v20  }
0xeb: {  	(v2sf) =	vpush v58, $0xF;
	v59, _, _ =	vpop (xrf2);
	(xrf2) =	vadd.scan.msk.f32 $0xffff, v26  }
0xec: {  	(v2sf) =	vpush v59, $0xF  }
0xed: {  	(v2sf) =	vpush v63, $0xF;
	v60, _, _ =	vpop (xrf2)  }
0xee: {  	(v2sf) =	vpush v60, $0xF;
	_ =	sdelay $0x1  }
0xef: {  	v61, _, _ =	vpop (xrf2)  }
0xf0: {  	(v2sf) =	vpush v61, $0xF  }
0xf1: {  	s14 =	spop (v2sf);
	(v2sf) =	vpush v57, $0xF  }
0xf2: {  	s22 =	spop (v2sf)  }
0xf3: {  	s23 =	spop (v2sf);
	v62, _, _ =	vpop (xrf2)  }
0xf4: {  	v8 =	vmul.f32 v29, v8;
	s24 =	spop (v2sf);
	(v2sf) =	vpush v62, $0xF;
	v63, _, _ =	vpop (xrf2)  }
0xf5: {  	v6 =	vmul.f32 v30, v6;
	s16 =	sadd.f32 $9.999999960e-13, s23;
	s13 =	spop (v2sf);
	(v2sf) =	vpush v63, $0xF  }
0xf6: {  	[tilespmem:s11+$0x50] =	vst v8;
	v5 =	vmul.f32 v35, v5;
	s25 =	spop (v2sf)  }
0xf7: {  	[tilespmem:s11+$0x70] =	vst v6;
	v3 =	vmul.f32 v37, v3;
	s17 =	sadd.f32 $9.999999960e-13, s24;
	v50 =	vmov s16;
	s19 =	spop (v2sf)  }
0xf8: {  	[tilespmem:s11+$0x60] =	vst v5;
	v38 =	vmul.f32 v34, v14;
	(erf) = vrcp.f32 v50;
	s20 =	spop (v2sf)  }
0xf9: {  	[tilespmem:s11+$0xFFFFFF80] =	vst v3;
	v4 =	vmul.f32 v39, v4;
	v51 =	vmov s17;
	s20 =	sadd.f32 $9.999999960e-13, s20;
	s26 =	spop (v2sf)  }
0xfa: {  	[tilespmem:s11+$0xFFFFFFA0] =	vst v38;
	v52 =	vmul.f32 v40, v16;
	(erf) = vrcp.f32 v51;
	s18 =	sadd.f32 $9.999999960e-13, s25;
	s28 =	spop (v2sf)  }
0xfb: {  	[tilespmem:s11+$0x20] =	vst v4;
	v1 =	vmul.f32 v42, v1;
	v8 =	vmul.f32 v46, v2;
	s15 =	sadd.f32 $9.999999960e-13, s22;
	v53 =	vmov s20;
	s29 =	spop (v2sf)  }
0xfc: {  	[tilespmem:s11+$0x10] =	vst v52;
	v14 =	vmul.f32 v47, v12;
	v55 =	vmov s18;
	(erf) = vrcp.f32 v53;
	s30 =	sadd.f32 $9.999999960e-13, s29;
	s31 =	spop (v2sf)  }
0xfd: {  	[tilespmem:s11+$0xFFFFFFD0] =	vst v1;
	v0 =	vmul.f32 v49, v0;
	v56 =	vmov s15;
	(erf) = vrcp.f32 v55;
	s21 =	sadd.f32 $9.999999960e-13, s31  }
0xfe: {  	[tilespmem:s11+$0x30] =	vst v8;
	v54 =	vmul.f32 v41, v10;
	s16 =	sadd.f32 $9.999999960e-13, s26;
	(erf) = vrcp.f32 v56;
	v57 =	vmov s30  }
0xff: {  	[tilespmem:s11+$0xFFFFFFF0] =	vst v14;
	v10 =	vmul.f32 v48, v7;
	s22 =	sadd.f32 $9.999999960e-13, s19;
	s23 =	spop (v2sf);
	v60 =	vmov s21;
	(erf) = vrcp.f32 v57  }
0x100: {  	[tilespmem:s11+$0xFFFFFFC0] =	vst v0;
	v58 =	vmul.f32 v43, v11;
	v62 =	vmov s16;
	s15 =	sadd.f32 $9.999999960e-13, s23;
	s24 =	spop (v2sf);
	(erf) = vrcp.f32 v60  }
0x101: {  	[tilespmem:s11+$0xFFFFFFB0] =	vst v54;
	v11 =	vpop (erf);
	v59 =	vmul.f32 v44, v9;
	v63 =	vmov s22;
	s16 =	sadd.f32 $9.999999960e-13, s24;
	(erf) = vrcp.f32 v62  }
0x102: {  	[tilespmem:s11+$0x0] =	vst v10;
	v34 =	vmul.f32 v11, v23;
	s25 =	sadd.f32 $9.999999960e-13, s28;
	v9 =	vmov s15;
	(erf) = vrcp.f32 v63  }
0x103: {  	s14 =	sadd.f32 $9.999999960e-13, s14;
	[tilespmem:s11+$0xFFFFFF90] =	vst v58;
	v16 =	vpop (erf);
	v61 =	vmul.f32 v45, v13;
	s26 =	spop (v2sf);
	v13 =	vmov s16;
	(erf) = vrcp.f32 v9  }
0x104: {  	v36 =	vmul.f32 v16, v22;
	[tilespmem:s11+$0x40] =	vst v59;
	v29 =	vmov s25;
	s28 =	sadd.f32 $9.999999960e-13, s26;
	(erf) = vrcp.f32 v13;
	s29 =	spop (v2sf)  }
0x105: {  	v30 =	vmov s14;
	[tilespmem:s12+$0x50] =	vst v34;
	v35 =	vpop (erf);
	(erf) = vrcp.f32 v29;
	s30 =	sadd.f32 $9.999999960e-13, s29  }
0x106: {  	[tilespmem:s12+$0x70] =	vst v36;
	s31 =	sadd.f32 $9.999999960e-13, s13;
	v37 =	vpop (erf);
	v39 =	vmul.f32 v35, v32;
	v38 =	vmov s28;
	(erf) = vrcp.f32 v30  }
0x107: {  	[tilespmem:s11+$0xFFFFFFE0] =	vst v61;
	v40 =	vpop (erf);
	v42 =	vmul.f32 v37, v24;
	v41 =	vmov s30;
	(erf) = vrcp.f32 v38  }
0x108: {  	v44 =	vmov s31;
	[tilespmem:s12+$0xFFFFFFA0] =	vst v39;
	v45 =	vmul.f32 v40, v19;
	v43 =	vpop (erf);
	(erf) = vrcp.f32 v41  }
0x109: {  	[tilespmem:s12+$0x60] =	vst v42;
	v46 =	vpop (erf);
	(erf) = vrcp.f32 v44;
	v48 =	vmul.f32 v43, v21  }
0x10a: {  	[tilespmem:s12+$0xFFFFFF80] =	vst v45;
	v47 =	vpop (erf);
	v49 =	vmul.f32 v46, v33  }
0x10b: {  	v50 =	vpop (erf);
	[tilespmem:s12+$0x20] =	vst v48;
	v51 =	vmul.f32 v47, v27  }
0x10c: {  	v52 =	vpop (erf);
	[tilespmem:s12+$0x10] =	vst v49;
	v53 =	vmul.f32 v50, v15  }
0x10d: {  	v54 =	vpop (erf);
	v3 =	vmul.f32 v52, v28;
	[tilespmem:s12+$0xFFFFFFB0] =	vst v51  }
0x10e: {  	v55 =	vpop (erf);
	[tilespmem:s12+$0xFFFFFFD0] =	vst v53;
	v56 =	vmul.f32 v54, v25  }
0x10f: {  	v57 =	vpop (erf);
	[tilespmem:s12+$0xFFFFFF90] =	vst v3;
	v2 =	vmul.f32 v55, v31  }
0x110: {  	v58 =	vpop (erf);
	[tilespmem:s12+$0x40] =	vst v56;
	v59 =	vmul.f32 v57, v18  }
0x111: {  	v60 =	vpop (erf);
	[tilespmem:s12+$0xFFFFFFE0] =	vst v2;
	v63 =	vmul.f32 v58, v20  }
0x112: {  	v1 =	vmul.f32 v60, v26;
	v61 =	vpop (erf);
	[tilespmem:s12+$0x30] =	vst v59  }
0x113: {  	s10 =	sadd.s32 $0x1, s10;
	v62 =	vmul.f32 v61, v17;
	[tilespmem:s12+$0xFFFFFFF0] =	vst v63  }
0x114: {  	p0 =	sne.s32 s10, s6;
	[tilespmem:s12+$0x0] =	vst v1  }
.Ltmp1:
0x115: {  	[tilespmem:s12+$0xFFFFFFC0] =	vst v62;
	(pc) =	sbr.rel @p0 .LBB2_1-.Ltmp1, $4  }
0x116: {  	[hbm4b:s5+s3] =	stream.linear.scatter [tilespmem:s8], [sflag:$0x2], $0x10000, $0x38;
	[tilespmem:$0x10200] =	vst v63  }
0x117: {  	_ =	swait.ge [sflag:s7], $0x10000  }
0x118: {  	[sflag:s7] =	ssyncset.done $0x0  }
0x119: {  	[sflag:s7] =	ssyncadd.s32 $0xFFFF0000  }
0x11a: {  	_ =	sfence.sel $0x180000  }
0x11b: {  	[bflag:$0x0] =	sbarrier.arrive $0xFFFF  }
0x11c: {  	p0 =	sne.s32 s2, $0x0;
	_ =	strace $0x90000047  }
0x11d: {  	s0 =	sadd.s32 @!p0 $0x100000, s0;
	[bflag:$0x2] =	sbarrier.arrive $0xFFFF  }
0x11e: {  	[sflag:s0] =	ssyncadd.tile.s32 @!p0 $0x1;
	_ =	shalt  }
.Lfunc_end2:
_tile_overlayer_lowered:
.L_overlay_start_2:
0x11f: {  	(tag) =	ssettag $0x2  }
0x120: {  	s0 =	rddreg [dreg:$0x0];
	s2 =	stileid.u32  }
0x121: {  	s1 =	rddreg [dreg:$0x1];
	p0 =	sne.s32 s2, $0x0  }
0x122: {  	s3 =	rddreg [dreg:$0x2];
	[bflag:$0x3] =	sbarrier.arrive $0xFFFF;
	s2 =	simm.s32 @!p0 $0x1C02  }
0x123: {  	[timem:s3], [sflag:s2] =	dma.local @!p0 [hbm:s0], s1  }
0x124: {  	s0 =	simm.s32 @!p0 $0x2  }
0x125: {  	_ =	swait.ge @!p0 [sflag:s0], s1  }
0x126: {  	s1 =	ssub.s32 @!p0 $0x0, s1;
	[sflag:s0] =	ssyncset.done @!p0 $0x0  }
0x127: {  	[sflag:s0] =	ssyncadd.s32 @!p0 s1  }
0x128: {  	[bflag:$0x3] =	sbarrier.arrive $0xFFFF  }
0x129: {  	_ =	shalt  }

</sc_bundles>
